<compile_context>
chip_gen: v7x
topology: tpu7x:2x2x1
jax: 0.10.2.dev20260603
libtpu: 0.0.44.dev20260713+nightly
codegen_flags: <defaults>
</compile_context>

<pallas_src>
import functools

import jax
import jax.numpy as jnp
from jax import lax
from jax.experimental import pallas as pl
from jax.experimental.pallas import tpu as pltpu
from jax.experimental.pallas import tpu_sc as plsc

_N = 100000
_NP = 100096
_E = 6400000
_NC = 2
_NS = 16
_NW = _NC * _NS
_NPT = _NP // _NS
_ET = _E // _NW
_CH = 4000
_SUP = _ET // (2 * _CH)

_f32 = jnp.float32
_mesh = plsc.VectorSubcoreMesh(core_axis_name="c", subcore_axis_name="s",
                               num_cores=_NC, num_subcores=_NS)
_sc_params = pltpu.CompilerParams(use_tc_tiling_on_sc=False)


@functools.partial(
    pl.kernel,
    out_type=jax.ShapeDtypeStruct((_NC * _NP,), _f32),
    mesh=_mesh,
    compiler_params=_sc_params,
    scratch_types=[
        pltpu.VMEM_SHARED((_NP,), _f32),
        pltpu.VMEM((_NPT,), _f32),
        pltpu.VMEM((_CH,), jnp.int32),
        pltpu.VMEM((_CH,), jnp.int32),
        pltpu.SemaphoreType.DMA,
        pltpu.SemaphoreType.DMA,
    ],
)
def _sc_degree(ei_hbm, out_hbm, acc_sh, ones_v, dst_a, dst_b, sem_a, sem_b):
    c = lax.axis_index("c")
    s = lax.axis_index("s")
    wid = c * _NS + s

    @pl.loop(0, _NPT // 16)
    def _fill(i):
        ones_v[pl.ds(i * 16, 16)] = jnp.ones((16,), _f32)

    nb = s * _NPT
    pltpu.sync_copy(ones_v, acc_sh.at[pl.ds(nb, _NPT)])
    plsc.subcore_barrier()

    e0 = wid * _ET

    @pl.loop(0, _SUP)
    def _sup(t):
        eb = e0 + t * (2 * _CH)
        pltpu.sync_copy(ei_hbm.at[1, pl.ds(eb, _CH)], dst_a)
        da = pltpu.async_copy(ones_v.at[pl.ds(0, _CH)], acc_sh.at[dst_a],
                              sem_a, add=True)
        pltpu.sync_copy(ei_hbm.at[1, pl.ds(eb + _CH, _CH)], dst_b)
        db = pltpu.async_copy(ones_v.at[pl.ds(0, _CH)], acc_sh.at[dst_b],
                              sem_b, add=True)
        da.wait()
        db.wait()

    plsc.subcore_barrier()
    pltpu.sync_copy(acc_sh.at[pl.ds(nb, _NPT)], ones_v)
    pltpu.sync_copy(ones_v, out_hbm.at[pl.ds(c * _NP + nb, _NPT)])


@functools.partial(
    pl.kernel,
    out_type=(jax.ShapeDtypeStruct((_NC * _NP,), _f32),
              jax.ShapeDtypeStruct((_NC * _NP,), _f32)),
    mesh=_mesh,
    compiler_params=_sc_params,
    scratch_types=[
        pltpu.VMEM_SHARED((_NP,), _f32),
        pltpu.VMEM_SHARED((_NP,), _f32),
        pltpu.VMEM_SHARED((_NP,), _f32),
        pltpu.VMEM_SHARED((_NP,), _f32),
        pltpu.VMEM((_NPT,), _f32),
        pltpu.VMEM((_CH,), jnp.int32),
        pltpu.VMEM((_CH,), jnp.int32),
        pltpu.VMEM((_CH,), jnp.int32),
        pltpu.VMEM((_CH,), jnp.int32),
        pltpu.VMEM((_CH,), _f32),
        pltpu.VMEM((_CH,), _f32),
        pltpu.VMEM((_CH,), _f32),
        pltpu.VMEM((_CH,), _f32),
        pltpu.SemaphoreType.DMA,
        pltpu.SemaphoreType.DMA,
        pltpu.SemaphoreType.DMA,
        pltpu.SemaphoreType.DMA,
        pltpu.SemaphoreType.DMA,
        pltpu.SemaphoreType.DMA,
    ],
)
def _sc_aggregate2(y0_hbm, y1_hbm, ei_hbm, o0_hbm, o1_hbm,
                   t0_sh, t1_sh, a0_sh, a1_sh, stage_v,
                   src_a, dst_a, src_b, dst_b, m0a, m1a, m0b, m1b,
                   g0sem, g1sem, s0a_sem, s1a_sem, s0b_sem, s1b_sem):
    c = lax.axis_index("c")
    s = lax.axis_index("s")
    wid = c * _NS + s
    nb = s * _NPT

    pltpu.sync_copy(y0_hbm.at[pl.ds(nb, _NPT)], stage_v)
    pltpu.sync_copy(stage_v, t0_sh.at[pl.ds(nb, _NPT)])
    pltpu.sync_copy(stage_v, a0_sh.at[pl.ds(nb, _NPT)])
    pltpu.sync_copy(y1_hbm.at[pl.ds(nb, _NPT)], stage_v)
    pltpu.sync_copy(stage_v, t1_sh.at[pl.ds(nb, _NPT)])
    pltpu.sync_copy(stage_v, a1_sh.at[pl.ds(nb, _NPT)])
    plsc.subcore_barrier()

    e0 = wid * _ET

    @pl.loop(0, _SUP)
    def _sup(t):
        eb = e0 + t * (2 * _CH)
        pltpu.sync_copy(ei_hbm.at[0, pl.ds(eb, _CH)], src_a)
        pltpu.sync_copy(ei_hbm.at[1, pl.ds(eb, _CH)], dst_a)
        g0 = pltpu.async_copy(t0_sh.at[src_a], m0a, g0sem)
        g1 = pltpu.async_copy(t1_sh.at[src_a], m1a, g1sem)
        pltpu.sync_copy(ei_hbm.at[0, pl.ds(eb + _CH, _CH)], src_b)
        pltpu.sync_copy(ei_hbm.at[1, pl.ds(eb + _CH, _CH)], dst_b)
        g0.wait()
        g1.wait()
        s0a = pltpu.async_copy(m0a, a0_sh.at[dst_a], s0a_sem, add=True)
        s1a = pltpu.async_copy(m1a, a1_sh.at[dst_a], s1a_sem, add=True)
        g0b = pltpu.async_copy(t0_sh.at[src_b], m0b, g0sem)
        g1b = pltpu.async_copy(t1_sh.at[src_b], m1b, g1sem)
        g0b.wait()
        g1b.wait()
        s0b = pltpu.async_copy(m0b, a0_sh.at[dst_b], s0b_sem, add=True)
        s1b = pltpu.async_copy(m1b, a1_sh.at[dst_b], s1b_sem, add=True)
        s0a.wait()
        s1a.wait()
        s0b.wait()
        s1b.wait()

    plsc.subcore_barrier()
    pltpu.sync_copy(a0_sh.at[pl.ds(nb, _NPT)], stage_v)
    pltpu.sync_copy(stage_v, o0_hbm.at[pl.ds(c * _NP + nb, _NPT)])
    pltpu.sync_copy(a1_sh.at[pl.ds(nb, _NPT)], stage_v)
    pltpu.sync_copy(stage_v, o1_hbm.at[pl.ds(c * _NP + nb, _NPT)])


@functools.partial(
    pl.kernel,
    out_type=jax.ShapeDtypeStruct((_NC * _NP,), _f32),
    mesh=_mesh,
    compiler_params=_sc_params,
    scratch_types=[
        pltpu.VMEM_SHARED((_NP,), _f32),
        pltpu.VMEM_SHARED((_NP,), _f32),
        pltpu.VMEM((_NPT,), _f32),
        pltpu.VMEM((_CH,), jnp.int32),
        pltpu.VMEM((_CH,), jnp.int32),
        pltpu.VMEM((_CH,), jnp.int32),
        pltpu.VMEM((_CH,), jnp.int32),
        pltpu.VMEM((_CH,), _f32),
        pltpu.VMEM((_CH,), _f32),
        pltpu.SemaphoreType.DMA,
        pltpu.SemaphoreType.DMA,
        pltpu.SemaphoreType.DMA,
    ],
)
def _sc_aggregate1(u_hbm, ei_hbm, o_hbm,
                   t_sh, a_sh, stage_v, src_a, dst_a, src_b, dst_b,
                   m_a, m_b, gsem, sa_sem, sb_sem):
    c = lax.axis_index("c")
    s = lax.axis_index("s")
    wid = c * _NS + s
    nb = s * _NPT

    pltpu.sync_copy(u_hbm.at[pl.ds(nb, _NPT)], stage_v)
    pltpu.sync_copy(stage_v, t_sh.at[pl.ds(nb, _NPT)])
    pltpu.sync_copy(stage_v, a_sh.at[pl.ds(nb, _NPT)])
    plsc.subcore_barrier()

    e0 = wid * _ET

    @pl.loop(0, _SUP)
    def _sup(t):
        eb = e0 + t * (2 * _CH)
        pltpu.sync_copy(ei_hbm.at[0, pl.ds(eb, _CH)], src_a)
        pltpu.sync_copy(ei_hbm.at[1, pl.ds(eb, _CH)], dst_a)
        g = pltpu.async_copy(t_sh.at[src_a], m_a, gsem)
        pltpu.sync_copy(ei_hbm.at[0, pl.ds(eb + _CH, _CH)], src_b)
        pltpu.sync_copy(ei_hbm.at[1, pl.ds(eb + _CH, _CH)], dst_b)
        g.wait()
        sa = pltpu.async_copy(m_a, a_sh.at[dst_a], sa_sem, add=True)
        gb = pltpu.async_copy(t_sh.at[src_b], m_b, gsem)
        gb.wait()
        sb = pltpu.async_copy(m_b, a_sh.at[dst_b], sb_sem, add=True)
        sa.wait()
        sb.wait()

    plsc.subcore_barrier()
    pltpu.sync_copy(a_sh.at[pl.ds(nb, _NPT)], stage_v)
    pltpu.sync_copy(stage_v, o_hbm.at[pl.ds(c * _NP + nb, _NPT)])


def _stage_norm(degp, xt):
    def body(degp_ref, xt_ref, yst_ref, dis_ref):
        deg = degp_ref[0:1, :] + degp_ref[1:2, :] - 1.0
        dis = lax.rsqrt(deg)
        dis_ref[...] = dis
        yst_ref[...] = xt_ref[...] * dis

    return pl.pallas_call(
        body,
        out_shape=(
            jax.ShapeDtypeStruct((2, _NP), _f32),
            jax.ShapeDtypeStruct((1, _NP), _f32),
        ),
    )(degp, xt)


def _stage_layer1(a4, yst, dis, W1, b1, W2):
    def body(a_ref, yst_ref, dis_ref, w1_ref, b1_ref, w2_ref, u_ref):
        a = a_ref[...]
        ys = yst_ref[...]
        dis = dis_ref[...]
        z0 = (a[0:1] + a[1:2] - ys[0:1]) * dis
        z1 = (a[2:3] + a[3:4] - ys[1:2]) * dis
        h0 = jnp.maximum(z0 * w1_ref[0, 0] + z1 * w1_ref[1, 0] + b1_ref[0],
                         0.0)
        h1 = jnp.maximum(z0 * w1_ref[0, 1] + z1 * w1_ref[1, 1] + b1_ref[1],
                         0.0)
        u_ref[...] = (h0 * w2_ref[0, 0] + h1 * w2_ref[1, 0]) * dis

    return pl.pallas_call(
        body,
        in_specs=[
            pl.BlockSpec(memory_space=pltpu.VMEM),
            pl.BlockSpec(memory_space=pltpu.VMEM),
            pl.BlockSpec(memory_space=pltpu.VMEM),
            pl.BlockSpec(memory_space=pltpu.SMEM),
            pl.BlockSpec(memory_space=pltpu.SMEM),
            pl.BlockSpec(memory_space=pltpu.SMEM),
        ],
        out_shape=jax.ShapeDtypeStruct((1, _NP), _f32),
    )(a4, yst, dis, W1, b1, W2)


def _stage_out(a2, u, dis, b2):
    def body(a_ref, u_ref, dis_ref, b_ref, out_ref):
        a = a_ref[...]
        out_ref[...] = (a[0:1] + a[1:2] - u_ref[...]) * dis_ref[...] + b_ref[0]

    return pl.pallas_call(
        body,
        in_specs=[
            pl.BlockSpec(memory_space=pltpu.VMEM),
            pl.BlockSpec(memory_space=pltpu.VMEM),
            pl.BlockSpec(memory_space=pltpu.VMEM),
            pl.BlockSpec(memory_space=pltpu.SMEM),
        ],
        out_shape=jax.ShapeDtypeStruct((1, _NP), _f32),
    )(a2, u, dis, b2)


def kernel(x, edge_index, W1, b1, W2, b2):
    ei = edge_index.astype(jnp.int32)
    xt = jnp.pad(x, ((0, _NP - _N), (0, 0))).T

    degp = _sc_degree(ei).reshape(_NC, _NP)
    yst, dis = _stage_norm(degp, xt)

    o0, o1 = _sc_aggregate2(yst[0], yst[1], ei)
    a4 = jnp.concatenate([o0.reshape(_NC, _NP), o1.reshape(_NC, _NP)])
    u = _stage_layer1(a4, yst, dis, W1, b1, W2)

    o = _sc_aggregate1(u[0], ei)
    orow = _stage_out(o.reshape(_NC, _NP), u, dis, b2)

    return orow[0, :_N].reshape(_N, 1)

# --- scband reference (transcript-rebuilt; emitter-appended) ---
"""Pipeline reference for scband-gcn-18562848653543 (READ-ONLY COPY).

The authoritative reference and input builder live on the scoring server;
editing this copy changes nothing except your own understanding.
"""

import jax, jax.numpy as jnp
import numpy as np

N_NODES = 100000
N_EDGES = 6400000


def _gcn_conv(x, src, dst, W, b, num_nodes):
    # PyG GCNConv: add self loops, symmetric normalization, linear transform,
    # scatter-add aggregation at dst, then bias.
    loop = jnp.arange(num_nodes, dtype=src.dtype)
    s = jnp.concatenate([src, loop])
    d = jnp.concatenate([dst, loop])
    deg = jnp.zeros((num_nodes,), dtype=x.dtype).at[d].add(1.0)
    dis = jnp.where(deg > 0, jax.lax.rsqrt(deg), 0.0)
    norm = dis[s] * dis[d]
    h = x @ W
    msg = h[s] * norm[:, None]
    out = jnp.zeros((num_nodes, W.shape[1]), dtype=x.dtype).at[d].add(msg)
    return out + b


def setup_inputs(seed: int = 0) -> dict:
    key = jax.random.key(seed)
    k1, k2, k3, k4, k5, k6 = jax.random.split(key, 6)
    x = jax.random.normal(k1, (N_NODES, 2), dtype=jnp.float32)
    edge_index = jax.random.randint(k2, (2, N_EDGES), 0, N_NODES, dtype=jnp.int64)
    # conv1: GCNConv(in_channels=2, out_channels=2)
    W1 = jax.random.normal(k3, (2, 2), dtype=jnp.float32) * (1.0 / np.sqrt(2.0))
    b1 = jnp.zeros((2,), dtype=jnp.float32)
    # conv2: GCNConv(in_channels=2, out_channels=1)
    W2 = jax.random.normal(k4, (2, 1), dtype=jnp.float32) * (1.0 / np.sqrt(2.0))
    b2 = jnp.zeros((1,), dtype=jnp.float32)
    return {"x": x, "edge_index": edge_index, "W1": W1, "b1": b1, "W2": W2, "b2": b2}


def reference(x, edge_index, W1, b1, W2, b2):
    num_nodes = x.shape[0]
    src = edge_index[0]
    dst = edge_index[1]
    h = _gcn_conv(x, src, dst, W1, b1, num_nodes)
    h = jax.nn.relu(h)
    out = _gcn_conv(h, src, dst, W2, b2, num_nodes)
    return out

if __name__ == "__main__":
    import jax
    _d = setup_inputs()
    print(jax.jit(kernel)(*tuple(_d.values())))

</pallas_src>

<mosaic_0001>
#map = affine_map<(d0, d1) -> (0, 0)>
#map1 = affine_map<(d0, d1) -> (0)>
module attributes {stable_mosaic.version = 14 : i64} {
  func.func @_sc_degree(%arg0: i32, %arg1: i32, %arg2: memref<2x6400000xi32, #tpu.memory_space<hbm>>, %arg3: memref<200192xf32, #tpu.memory_space<hbm>>, %arg4: memref<100096xf32, #tpu.memory_space<vmem_shared>>, %arg5: memref<6256xf32, #tpu.memory_space<vmem>>, %arg6: memref<4000xi32, #tpu.memory_space<vmem>>, %arg7: memref<4000xi32, #tpu.memory_space<vmem>>, %arg8: memref<!tpu.dma_semaphore, #tpu.memory_space<semaphore_mem>>, %arg9: memref<!tpu.dma_semaphore, #tpu.memory_space<semaphore_mem>>) attributes {dimension_semantics = [#tpu.dimension_semantics<core_parallel>, #tpu.dimension_semantics<subcore_parallel>], iteration_bounds = array<i64: 2, 16>, scalar_prefetch = 0 : i64, scratch_operands = 6 : i64, tpu.core_type = #tpu.core_type<sc_vector_subcore>, window_params = [{transform_indices = #map}, {transform_indices = #map1}]} {
    %mul3A = arith.constant 16 : i32
    %mul3A_0 = arith.muli %arg0, %mul3A : i32
    %add3A = arith.addi %mul3A_0, %arg1 : i32
    %scan3A = arith.constant 0 : i32
    %scan3A_1 = arith.constant 391 : i32
    %scan3A_2 = arith.addi %scan3A, %scan3A_1 : i32
    %scan3A_3 = arith.constant 1 : i32
    scf.for %scan3A_18 = %scan3A to %scan3A_2 step %scan3A_3  : i32 {
      %mul3A_19 = arith.constant 1 : i32
      %mul3A_20 = arith.muli %scan3A_18, %mul3A_19 : i32
      %add3A_21 = arith.constant 0 : i32
      %add3A_22 = arith.addi %add3A_21, %mul3A_20 : i32
      %broadcast_in_dim3A = arith.constant 1.000000e+00 : f32
      %broadcast_in_dim3A_23 = vector.broadcast %broadcast_in_dim3A : f32 to vector<16xf32>
      %mul3A_24 = arith.constant 16 : i32
      %mul3A_25 = arith.muli %add3A_22, %mul3A_24 : i32
      %swap3A = arith.index_cast %mul3A_25 : i32 to index
      %swap3A_26 = tpu.vector_load %arg5[%swap3A] {strides = array<i32>} : memref<6256xf32, #tpu.memory_space<vmem>>, vector<16xf32>,
      %swap3A_27 = vector.shape_cast %swap3A_26 : vector<16xf32> to vector<16xf32>
      %swap3A_28 = vector.shape_cast %broadcast_in_dim3A_23 : vector<16xf32> to vector<16xf32>
      tpu.vector_store %arg5[%swap3A], %swap3A_28 {strides = array<i32>} : memref<6256xf32, #tpu.memory_space<vmem>>, vector<16xf32>,
    }
    %scan3A_4 = arith.constant 391 : i32
    %mul3A_5 = arith.constant 6256 : i32
    %mul3A_6 = arith.muli %arg1, %mul3A_5 : i32
    "tpu.region"() ({
      %run_scoped3A = tpu.sem_alloc : memref<!tpu.dma_semaphore, #tpu.memory_space<semaphore_mem>>
      %dma_start3A = tpu.memref_slice %arg4[%mul3A_6] : memref<100096xf32, #tpu.memory_space<vmem_shared>> -> memref<6256xf32, #tpu.memory_space<vmem_shared>>
      %dma_start3A_18 = tpu.memref_slice %arg4[%mul3A_6] : memref<100096xf32, #tpu.memory_space<vmem_shared>> -> memref<6256xf32, #tpu.memory_space<vmem_shared>>
      tpu.enqueue_dma source(%arg5 : memref<6256xf32, #tpu.memory_space<vmem>>) target(%dma_start3A_18 : memref<6256xf32, #tpu.memory_space<vmem_shared>>) target_semaphore(%run_scoped3A : memref<!tpu.dma_semaphore, #tpu.memory_space<semaphore_mem>>)
      %dma_wait3A = tpu.memref_slice %arg4[%mul3A_6] : memref<100096xf32, #tpu.memory_space<vmem_shared>> -> memref<6256xf32, #tpu.memory_space<vmem_shared>>
      %dma_wait3A_19 = tpu.memref_slice %arg4[%mul3A_6] : memref<100096xf32, #tpu.memory_space<vmem_shared>> -> memref<6256xf32, #tpu.memory_space<vmem_shared>>
      tpu.wait_dma2 semaphore(%run_scoped3A : memref<!tpu.dma_semaphore, #tpu.memory_space<semaphore_mem>>) src(%arg5 : memref<6256xf32, #tpu.memory_space<vmem>>) dst(%dma_wait3A_19 : memref<6256xf32, #tpu.memory_space<vmem_shared>>)
      tpu.yield
    }) : () -> ()
    %barrier3A = arith.constant 0 : index
    tpu.barrier barrier_id(%barrier3A)
    %mul3A_7 = arith.constant 200000 : i32
    %mul3A_8 = arith.muli %add3A, %mul3A_7 : i32
    %scan3A_9 = arith.constant 0 : i32
    %scan3A_10 = arith.constant 25 : i32
    %scan3A_11 = arith.addi %scan3A_9, %scan3A_10 : i32
    %scan3A_12 = arith.constant 1 : i32
    scf.for %scan3A_18 = %scan3A_9 to %scan3A_11 step %scan3A_12  : i32 {
      %mul3A_19 = arith.constant 1 : i32
      %mul3A_20 = arith.muli %scan3A_18, %mul3A_19 : i32
      %add3A_21 = arith.constant 0 : i32
      %add3A_22 = arith.addi %add3A_21, %mul3A_20 : i32
      %mul3A_23 = arith.constant 8000 : i32
      %mul3A_24 = arith.muli %add3A_22, %mul3A_23 : i32
      %add3A_25 = arith.addi %mul3A_8, %mul3A_24 : i32
      %run_scoped3A = arith.constant 1 : i32
      "tpu.region"() ({
        %run_scoped3A_43 = tpu.sem_alloc : memref<!tpu.dma_semaphore, #tpu.memory_space<semaphore_mem>>
        %dma_start3A_44 = tpu.memref_slice %arg2[%run_scoped3A, %add3A_25] : memref<2x6400000xi32, #tpu.memory_space<hbm>> -> memref<1x4000xi32, #tpu.memory_space<hbm>>
        %dma_start3A_45 = tpu.memref_squeeze %dma_start3A_44 : memref<1x4000xi32, #tpu.memory_space<hbm>> -> memref<4000xi32, #tpu.memory_space<hbm>>
        %dma_start3A_46 = tpu.memref_slice %arg2[%run_scoped3A, %add3A_25] : memref<2x6400000xi32, #tpu.memory_space<hbm>> -> memref<1x4000xi32, #tpu.memory_space<hbm>>
        %dma_start3A_47 = tpu.memref_squeeze %dma_start3A_46 : memref<1x4000xi32, #tpu.memory_space<hbm>> -> memref<4000xi32, #tpu.memory_space<hbm>>
        tpu.enqueue_dma source(%dma_start3A_47 : memref<4000xi32, #tpu.memory_space<hbm>>) target(%arg6 : memref<4000xi32, #tpu.memory_space<vmem>>) target_semaphore(%run_scoped3A_43 : memref<!tpu.dma_semaphore, #tpu.memory_space<semaphore_mem>>)
        %dma_wait3A_48 = tpu.memref_slice %arg2[%run_scoped3A, %add3A_25] : memref<2x6400000xi32, #tpu.memory_space<hbm>> -> memref<1x4000xi32, #tpu.memory_space<hbm>>
        %dma_wait3A_49 = tpu.memref_squeeze %dma_wait3A_48 : memref<1x4000xi32, #tpu.memory_space<hbm>> -> memref<4000xi32, #tpu.memory_space<hbm>>
        %dma_wait3A_50 = tpu.memref_slice %arg2[%run_scoped3A, %add3A_25] : memref<2x6400000xi32, #tpu.memory_space<hbm>> -> memref<1x4000xi32, #tpu.memory_space<hbm>>
        %dma_wait3A_51 = tpu.memref_squeeze %dma_wait3A_50 : memref<1x4000xi32, #tpu.memory_space<hbm>> -> memref<4000xi32, #tpu.memory_space<hbm>>
        tpu.wait_dma2 semaphore(%run_scoped3A_43 : memref<!tpu.dma_semaphore, #tpu.memory_space<semaphore_mem>>) src(%dma_wait3A_51 : memref<4000xi32, #tpu.memory_space<hbm>>) dst(%arg6 : memref<4000xi32, #tpu.memory_space<vmem>>)
        tpu.yield
      }) : () -> ()
      %dma_start3A = arith.constant 0 : i32
      %dma_start3A_26 = tpu.memref_slice %arg5[%dma_start3A] : memref<6256xf32, #tpu.memory_space<vmem>> -> memref<4000xf32, #tpu.memory_space<vmem>>
      %dma_start3A_27 = arith.constant 0 : i32
      %dma_start3A_28 = tpu.memref_slice %arg4[%dma_start3A_27] : memref<100096xf32, #tpu.memory_space<vmem_shared>> -> memref<100096xf32, #tpu.memory_space<vmem_shared>>
      tpu.enqueue_indirect_dma source(%dma_start3A_26 : memref<4000xf32, #tpu.memory_space<vmem>>) target(%dma_start3A_28 : memref<100096xf32, #tpu.memory_space<vmem_shared>>) offsets(%arg6 : memref<4000xi32, #tpu.memory_space<vmem>>) semaphore(%arg8 : memref<!tpu.dma_semaphore, #tpu.memory_space<semaphore_mem>>) {add = true}
      %add3A_29 = arith.constant 4000 : i32
      %add3A_30 = arith.addi %add3A_25, %add3A_29 : i32
      %run_scoped3A_31 = arith.constant 1 : i32
      "tpu.region"() ({
        %run_scoped3A_43 = tpu.sem_alloc : memref<!tpu.dma_semaphore, #tpu.memory_space<semaphore_mem>>
        %dma_start3A_44 = tpu.memref_slice %arg2[%run_scoped3A_31, %add3A_30] : memref<2x6400000xi32, #tpu.memory_space<hbm>> -> memref<1x4000xi32, #tpu.memory_space<hbm>>
        %dma_start3A_45 = tpu.memref_squeeze %dma_start3A_44 : memref<1x4000xi32, #tpu.memory_space<hbm>> -> memref<4000xi32, #tpu.memory_space<hbm>>
        %dma_start3A_46 = tpu.memref_slice %arg2[%run_scoped3A_31, %add3A_30] : memref<2x6400000xi32, #tpu.memory_space<hbm>> -> memref<1x4000xi32, #tpu.memory_space<hbm>>
        %dma_start3A_47 = tpu.memref_squeeze %dma_start3A_46 : memref<1x4000xi32, #tpu.memory_space<hbm>> -> memref<4000xi32, #tpu.memory_space<hbm>>
        tpu.enqueue_dma source(%dma_start3A_47 : memref<4000xi32, #tpu.memory_space<hbm>>) target(%arg7 : memref<4000xi32, #tpu.memory_space<vmem>>) target_semaphore(%run_scoped3A_43 : memref<!tpu.dma_semaphore, #tpu.memory_space<semaphore_mem>>)
        %dma_wait3A_48 = tpu.memref_slice %arg2[%run_scoped3A_31, %add3A_30] : memref<2x6400000xi32, #tpu.memory_space<hbm>> -> memref<1x4000xi32, #tpu.memory_space<hbm>>
        %dma_wait3A_49 = tpu.memref_squeeze %dma_wait3A_48 : memref<1x4000xi32, #tpu.memory_space<hbm>> -> memref<4000xi32, #tpu.memory_space<hbm>>
        %dma_wait3A_50 = tpu.memref_slice %arg2[%run_scoped3A_31, %add3A_30] : memref<2x6400000xi32, #tpu.memory_space<hbm>> -> memref<1x4000xi32, #tpu.memory_space<hbm>>
        %dma_wait3A_51 = tpu.memref_squeeze %dma_wait3A_50 : memref<1x4000xi32, #tpu.memory_space<hbm>> -> memref<4000xi32, #tpu.memory_space<hbm>>
        tpu.wait_dma2 semaphore(%run_scoped3A_43 : memref<!tpu.dma_semaphore, #tpu.memory_space<semaphore_mem>>) src(%dma_wait3A_51 : memref<4000xi32, #tpu.memory_space<hbm>>) dst(%arg7 : memref<4000xi32, #tpu.memory_space<vmem>>)
        tpu.yield
      }) : () -> ()
      %dma_start3A_32 = arith.constant 0 : i32
      %dma_start3A_33 = tpu.memref_slice %arg5[%dma_start3A_32] : memref<6256xf32, #tpu.memory_space<vmem>> -> memref<4000xf32, #tpu.memory_space<vmem>>
      %dma_start3A_34 = arith.constant 0 : i32
      %dma_start3A_35 = tpu.memref_slice %arg4[%dma_start3A_34] : memref<100096xf32, #tpu.memory_space<vmem_shared>> -> memref<100096xf32, #tpu.memory_space<vmem_shared>>
      tpu.enqueue_indirect_dma source(%dma_start3A_33 : memref<4000xf32, #tpu.memory_space<vmem>>) target(%dma_start3A_35 : memref<100096xf32, #tpu.memory_space<vmem_shared>>) offsets(%arg7 : memref<4000xi32, #tpu.memory_space<vmem>>) semaphore(%arg9 : memref<!tpu.dma_semaphore, #tpu.memory_space<semaphore_mem>>) {add = true}
      %dma_wait3A = arith.constant 0 : i32
      %dma_wait3A_36 = tpu.memref_slice %arg5[%dma_wait3A] : memref<6256xf32, #tpu.memory_space<vmem>> -> memref<4000xf32, #tpu.memory_space<vmem>>
      %dma_wait3A_37 = arith.constant 0 : i32
      %dma_wait3A_38 = tpu.memref_slice %arg4[%dma_wait3A_37] : memref<100096xf32, #tpu.memory_space<vmem_shared>> -> memref<100096xf32, #tpu.memory_space<vmem_shared>>
      tpu.wait_indirect_dma semaphore(%arg8 : memref<!tpu.dma_semaphore, #tpu.memory_space<semaphore_mem>>) src(%dma_wait3A_36 : memref<4000xf32, #tpu.memory_space<vmem>>) dst(%dma_wait3A_38 : memref<100096xf32, #tpu.memory_space<vmem_shared>>)
      %dma_wait3A_39 = arith.constant 0 : i32
      %dma_wait3A_40 = tpu.memref_slice %arg5[%dma_wait3A_39] : memref<6256xf32, #tpu.memory_space<vmem>> -> memref<4000xf32, #tpu.memory_space<vmem>>
      %dma_wait3A_41 = arith.constant 0 : i32
      %dma_wait3A_42 = tpu.memref_slice %arg4[%dma_wait3A_41] : memref<100096xf32, #tpu.memory_space<vmem_shared>> -> memref<100096xf32, #tpu.memory_space<vmem_shared>>
      tpu.wait_indirect_dma semaphore(%arg9 : memref<!tpu.dma_semaphore, #tpu.memory_space<semaphore_mem>>) src(%dma_wait3A_40 : memref<4000xf32, #tpu.memory_space<vmem>>) dst(%dma_wait3A_42 : memref<100096xf32, #tpu.memory_space<vmem_shared>>)
    }
    %scan3A_13 = arith.constant 25 : i32
    %barrier3A_14 = arith.constant 0 : index
    tpu.barrier barrier_id(%barrier3A_14)
    "tpu.region"() ({
      %run_scoped3A = tpu.sem_alloc : memref<!tpu.dma_semaphore, #tpu.memory_space<semaphore_mem>>
      %dma_start3A = tpu.memref_slice %arg4[%mul3A_6] : memref<100096xf32, #tpu.memory_space<vmem_shared>> -> memref<6256xf32, #tpu.memory_space<vmem_shared>>
      %dma_start3A_18 = tpu.memref_slice %arg4[%mul3A_6] : memref<100096xf32, #tpu.memory_space<vmem_shared>> -> memref<6256xf32, #tpu.memory_space<vmem_shared>>
      tpu.enqueue_dma source(%dma_start3A_18 : memref<6256xf32, #tpu.memory_space<vmem_shared>>) target(%arg5 : memref<6256xf32, #tpu.memory_space<vmem>>) target_semaphore(%run_scoped3A : memref<!tpu.dma_semaphore, #tpu.memory_space<semaphore_mem>>)
      %dma_wait3A = tpu.memref_slice %arg4[%mul3A_6] : memref<100096xf32, #tpu.memory_space<vmem_shared>> -> memref<6256xf32, #tpu.memory_space<vmem_shared>>
      %dma_wait3A_19 = tpu.memref_slice %arg4[%mul3A_6] : memref<100096xf32, #tpu.memory_space<vmem_shared>> -> memref<6256xf32, #tpu.memory_space<vmem_shared>>
      tpu.wait_dma2 semaphore(%run_scoped3A : memref<!tpu.dma_semaphore, #tpu.memory_space<semaphore_mem>>) src(%dma_wait3A_19 : memref<6256xf32, #tpu.memory_space<vmem_shared>>) dst(%arg5 : memref<6256xf32, #tpu.memory_space<vmem>>)
      tpu.yield
    }) : () -> ()
    %mul3A_15 = arith.constant 100096 : i32
    %mul3A_16 = arith.muli %arg0, %mul3A_15 : i32
    %add3A_17 = arith.addi %mul3A_16, %mul3A_6 : i32
    "tpu.region"() ({
      %run_scoped3A = tpu.sem_alloc : memref<!tpu.dma_semaphore, #tpu.memory_space<semaphore_mem>>
      %dma_start3A = tpu.memref_slice %arg3[%add3A_17] : memref<200192xf32, #tpu.memory_space<hbm>> -> memref<6256xf32, #tpu.memory_space<hbm>>
      %dma_start3A_18 = tpu.memref_slice %arg3[%add3A_17] : memref<200192xf32, #tpu.memory_space<hbm>> -> memref<6256xf32, #tpu.memory_space<hbm>>
      tpu.enqueue_dma source(%arg5 : memref<6256xf32, #tpu.memory_space<vmem>>) target(%dma_start3A_18 : memref<6256xf32, #tpu.memory_space<hbm>>) target_semaphore(%run_scoped3A : memref<!tpu.dma_semaphore, #tpu.memory_space<semaphore_mem>>)
      %dma_wait3A = tpu.memref_slice %arg3[%add3A_17] : memref<200192xf32, #tpu.memory_space<hbm>> -> memref<6256xf32, #tpu.memory_space<hbm>>
      %dma_wait3A_19 = tpu.memref_slice %arg3[%add3A_17] : memref<200192xf32, #tpu.memory_space<hbm>> -> memref<6256xf32, #tpu.memory_space<hbm>>
      tpu.wait_dma2 semaphore(%run_scoped3A : memref<!tpu.dma_semaphore, #tpu.memory_space<semaphore_mem>>) src(%arg5 : memref<6256xf32, #tpu.memory_space<vmem>>) dst(%dma_wait3A_19 : memref<6256xf32, #tpu.memory_space<hbm>>)
      tpu.yield
    }) : () -> ()
    return
  }
}

#map = affine_map<(d0, d1) -> (0)>
#map1 = affine_map<(d0, d1) -> (0, 0)>
module attributes {stable_mosaic.version = 14 : i64} {
  func.func @_sc_aggregate2(%arg0: i32, %arg1: i32, %arg2: memref<100096xf32, #tpu.memory_space<hbm>>, %arg3: memref<100096xf32, #tpu.memory_space<hbm>>, %arg4: memref<2x6400000xi32, #tpu.memory_space<hbm>>, %arg5: memref<200192xf32, #tpu.memory_space<hbm>>, %arg6: memref<200192xf32, #tpu.memory_space<hbm>>, %arg7: memref<100096xf32, #tpu.memory_space<vmem_shared>>, %arg8: memref<100096xf32, #tpu.memory_space<vmem_shared>>, %arg9: memref<100096xf32, #tpu.memory_space<vmem_shared>>, %arg10: memref<100096xf32, #tpu.memory_space<vmem_shared>>, %arg11: memref<6256xf32, #tpu.memory_space<vmem>>, %arg12: memref<4000xi32, #tpu.memory_space<vmem>>, %arg13: memref<4000xi32, #tpu.memory_space<vmem>>, %arg14: memref<4000xi32, #tpu.memory_space<vmem>>, %arg15: memref<4000xi32, #tpu.memory_space<vmem>>, %arg16: memref<4000xf32, #tpu.memory_space<vmem>>, %arg17: memref<4000xf32, #tpu.memory_space<vmem>>, %arg18: memref<4000xf32, #tpu.memory_space<vmem>>, %arg19: memref<4000xf32, #tpu.memory_space<vmem>>, %arg20: memref<!tpu.dma_semaphore, #tpu.memory_space<semaphore_mem>>, %arg21: memref<!tpu.dma_semaphore, #tpu.memory_space<semaphore_mem>>, %arg22: memref<!tpu.dma_semaphore, #tpu.memory_space<semaphore_mem>>, %arg23: memref<!tpu.dma_semaphore, #tpu.memory_space<semaphore_mem>>, %arg24: memref<!tpu.dma_semaphore, #tpu.memory_space<semaphore_mem>>, %arg25: memref<!tpu.dma_semaphore, #tpu.memory_space<semaphore_mem>>) attributes {dimension_semantics = [#tpu.dimension_semantics<core_parallel>, #tpu.dimension_semantics<subcore_parallel>], iteration_bounds = array<i64: 2, 16>, scalar_prefetch = 0 : i64, scratch_operands = 19 : i64, tpu.core_type = #tpu.core_type<sc_vector_subcore>, window_params = [{transform_indices = #map}, {transform_indices = #map}, {transform_indices = #map1}, {transform_indices = #map}, {transform_indices = #map}]} {
    %mul3A = arith.constant 16 : i32
    %mul3A_0 = arith.muli %arg0, %mul3A : i32
    %add3A = arith.addi %mul3A_0, %arg1 : i32
    %mul3A_1 = arith.constant 6256 : i32
    %mul3A_2 = arith.muli %arg1, %mul3A_1 : i32
    "tpu.region"() ({
      %run_scoped3A = tpu.sem_alloc : memref<!tpu.dma_semaphore, #tpu.memory_space<semaphore_mem>>
      %dma_start3A = tpu.memref_slice %arg2[%mul3A_2] : memref<100096xf32, #tpu.memory_space<hbm>> -> memref<6256xf32, #tpu.memory_space<hbm>>
      %dma_start3A_16 = tpu.memref_slice %arg2[%mul3A_2] : memref<100096xf32, #tpu.memory_space<hbm>> -> memref<6256xf32, #tpu.memory_space<hbm>>
      tpu.enqueue_dma source(%dma_start3A_16 : memref<6256xf32, #tpu.memory_space<hbm>>) target(%arg11 : memref<6256xf32, #tpu.memory_space<vmem>>) target_semaphore(%run_scoped3A : memref<!tpu.dma_semaphore, #tpu.memory_space<semaphore_mem>>)
      %dma_wait3A = tpu.memref_slice %arg2[%mul3A_2] : memref<100096xf32, #tpu.memory_space<hbm>> -> memref<6256xf32, #tpu.memory_space<hbm>>
      %dma_wait3A_17 = tpu.memref_slice %arg2[%mul3A_2] : memref<100096xf32, #tpu.memory_space<hbm>> -> memref<6256xf32, #tpu.memory_space<hbm>>
      tpu.wait_dma2 semaphore(%run_scoped3A : memref<!tpu.dma_semaphore, #tpu.memory_space<semaphore_mem>>) src(%dma_wait3A_17 : memref<6256xf32, #tpu.memory_space<hbm>>) dst(%arg11 : memref<6256xf32, #tpu.memory_space<vmem>>)
      tpu.yield
    }) : () -> ()
    "tpu.region"() ({
      %run_scoped3A = tpu.sem_alloc : memref<!tpu.dma_semaphore, #tpu.memory_space<semaphore_mem>>
      %dma_start3A = tpu.memref_slice %arg7[%mul3A_2] : memref<100096xf32, #tpu.memory_space<vmem_shared>> -> memref<6256xf32, #tpu.memory_space<vmem_shared>>
      %dma_start3A_16 = tpu.memref_slice %arg7[%mul3A_2] : memref<100096xf32, #tpu.memory_space<vmem_shared>> -> memref<6256xf32, #tpu.memory_space<vmem_shared>>
      tpu.enqueue_dma source(%arg11 : memref<6256xf32, #tpu.memory_space<vmem>>) target(%dma_start3A_16 : memref<6256xf32, #tpu.memory_space<vmem_shared>>) target_semaphore(%run_scoped3A : memref<!tpu.dma_semaphore, #tpu.memory_space<semaphore_mem>>)
      %dma_wait3A = tpu.memref_slice %arg7[%mul3A_2] : memref<100096xf32, #tpu.memory_space<vmem_shared>> -> memref<6256xf32, #tpu.memory_space<vmem_shared>>
      %dma_wait3A_17 = tpu.memref_slice %arg7[%mul3A_2] : memref<100096xf32, #tpu.memory_space<vmem_shared>> -> memref<6256xf32, #tpu.memory_space<vmem_shared>>
      tpu.wait_dma2 semaphore(%run_scoped3A : memref<!tpu.dma_semaphore, #tpu.memory_space<semaphore_mem>>) src(%arg11 : memref<6256xf32, #tpu.memory_space<vmem>>) dst(%dma_wait3A_17 : memref<6256xf32, #tpu.memory_space<vmem_shared>>)
      tpu.yield
    }) : () -> ()
    "tpu.region"() ({
      %run_scoped3A = tpu.sem_alloc : memref<!tpu.dma_semaphore, #tpu.memory_space<semaphore_mem>>
      %dma_start3A = tpu.memref_slice %arg9[%mul3A_2] : memref<100096xf32, #tpu.memory_space<vmem_shared>> -> memref<6256xf32, #tpu.memory_space<vmem_shared>>
      %dma_start3A_16 = tpu.memref_slice %arg9[%mul3A_2] : memref<100096xf32, #tpu.memory_space<vmem_shared>> -> memref<6256xf32, #tpu.memory_space<vmem_shared>>
      tpu.enqueue_dma source(%arg11 : memref<6256xf32, #tpu.memory_space<vmem>>) target(%dma_start3A_16 : memref<6256xf32, #tpu.memory_space<vmem_shared>>) target_semaphore(%run_scoped3A : memref<!tpu.dma_semaphore, #tpu.memory_space<semaphore_mem>>)
      %dma_wait3A = tpu.memref_slice %arg9[%mul3A_2] : memref<100096xf32, #tpu.memory_space<vmem_shared>> -> memref<6256xf32, #tpu.memory_space<vmem_shared>>
      %dma_wait3A_17 = tpu.memref_slice %arg9[%mul3A_2] : memref<100096xf32, #tpu.memory_space<vmem_shared>> -> memref<6256xf32, #tpu.memory_space<vmem_shared>>
      tpu.wait_dma2 semaphore(%run_scoped3A : memref<!tpu.dma_semaphore, #tpu.memory_space<semaphore_mem>>) src(%arg11 : memref<6256xf32, #tpu.memory_space<vmem>>) dst(%dma_wait3A_17 : memref<6256xf32, #tpu.memory_space<vmem_shared>>)
      tpu.yield
    }) : () -> ()
    "tpu.region"() ({
      %run_scoped3A = tpu.sem_alloc : memref<!tpu.dma_semaphore, #tpu.memory_space<semaphore_mem>>
      %dma_start3A = tpu.memref_slice %arg3[%mul3A_2] : memref<100096xf32, #tpu.memory_space<hbm>> -> memref<6256xf32, #tpu.memory_space<hbm>>
      %dma_start3A_16 = tpu.memref_slice %arg3[%mul3A_2] : memref<100096xf32, #tpu.memory_space<hbm>> -> memref<6256xf32, #tpu.memory_space<hbm>>
      tpu.enqueue_dma source(%dma_start3A_16 : memref<6256xf32, #tpu.memory_space<hbm>>) target(%arg11 : memref<6256xf32, #tpu.memory_space<vmem>>) target_semaphore(%run_scoped3A : memref<!tpu.dma_semaphore, #tpu.memory_space<semaphore_mem>>)
      %dma_wait3A = tpu.memref_slice %arg3[%mul3A_2] : memref<100096xf32, #tpu.memory_space<hbm>> -> memref<6256xf32, #tpu.memory_space<hbm>>
      %dma_wait3A_17 = tpu.memref_slice %arg3[%mul3A_2] : memref<100096xf32, #tpu.memory_space<hbm>> -> memref<6256xf32, #tpu.memory_space<hbm>>
      tpu.wait_dma2 semaphore(%run_scoped3A : memref<!tpu.dma_semaphore, #tpu.memory_space<semaphore_mem>>) src(%dma_wait3A_17 : memref<6256xf32, #tpu.memory_space<hbm>>) dst(%arg11 : memref<6256xf32, #tpu.memory_space<vmem>>)
      tpu.yield
    }) : () -> ()
    "tpu.region"() ({
      %run_scoped3A = tpu.sem_alloc : memref<!tpu.dma_semaphore, #tpu.memory_space<semaphore_mem>>
      %dma_start3A = tpu.memref_slice %arg8[%mul3A_2] : memref<100096xf32, #tpu.memory_space<vmem_shared>> -> memref<6256xf32, #tpu.memory_space<vmem_shared>>
      %dma_start3A_16 = tpu.memref_slice %arg8[%mul3A_2] : memref<100096xf32, #tpu.memory_space<vmem_shared>> -> memref<6256xf32, #tpu.memory_space<vmem_shared>>
      tpu.enqueue_dma source(%arg11 : memref<6256xf32, #tpu.memory_space<vmem>>) target(%dma_start3A_16 : memref<6256xf32, #tpu.memory_space<vmem_shared>>) target_semaphore(%run_scoped3A : memref<!tpu.dma_semaphore, #tpu.memory_space<semaphore_mem>>)
      %dma_wait3A = tpu.memref_slice %arg8[%mul3A_2] : memref<100096xf32, #tpu.memory_space<vmem_shared>> -> memref<6256xf32, #tpu.memory_space<vmem_shared>>
      %dma_wait3A_17 = tpu.memref_slice %arg8[%mul3A_2] : memref<100096xf32, #tpu.memory_space<vmem_shared>> -> memref<6256xf32, #tpu.memory_space<vmem_shared>>
      tpu.wait_dma2 semaphore(%run_scoped3A : memref<!tpu.dma_semaphore, #tpu.memory_space<semaphore_mem>>) src(%arg11 : memref<6256xf32, #tpu.memory_space<vmem>>) dst(%dma_wait3A_17 : memref<6256xf32, #tpu.memory_space<vmem_shared>>)
      tpu.yield
    }) : () -> ()
    "tpu.region"() ({
      %run_scoped3A = tpu.sem_alloc : memref<!tpu.dma_semaphore, #tpu.memory_space<semaphore_mem>>
      %dma_start3A = tpu.memref_slice %arg10[%mul3A_2] : memref<100096xf32, #tpu.memory_space<vmem_shared>> -> memref<6256xf32, #tpu.memory_space<vmem_shared>>
      %dma_start3A_16 = tpu.memref_slice %arg10[%mul3A_2] : memref<100096xf32, #tpu.memory_space<vmem_shared>> -> memref<6256xf32, #tpu.memory_space<vmem_shared>>
      tpu.enqueue_dma source(%arg11 : memref<6256xf32, #tpu.memory_space<vmem>>) target(%dma_start3A_16 : memref<6256xf32, #tpu.memory_space<vmem_shared>>) target_semaphore(%run_scoped3A : memref<!tpu.dma_semaphore, #tpu.memory_space<semaphore_mem>>)
      %dma_wait3A = tpu.memref_slice %arg10[%mul3A_2] : memref<100096xf32, #tpu.memory_space<vmem_shared>> -> memref<6256xf32, #tpu.memory_space<vmem_shared>>
      %dma_wait3A_17 = tpu.memref_slice %arg10[%mul3A_2] : memref<100096xf32, #tpu.memory_space<vmem_shared>> -> memref<6256xf32, #tpu.memory_space<vmem_shared>>
      tpu.wait_dma2 semaphore(%run_scoped3A : memref<!tpu.dma_semaphore, #tpu.memory_space<semaphore_mem>>) src(%arg11 : memref<6256xf32, #tpu.memory_space<vmem>>) dst(%dma_wait3A_17 : memref<6256xf32, #tpu.memory_space<vmem_shared>>)
      tpu.yield
    }) : () -> ()
    %barrier3A = arith.constant 0 : index
    tpu.barrier barrier_id(%barrier3A)
    %mul3A_3 = arith.constant 200000 : i32
    %mul3A_4 = arith.muli %add3A, %mul3A_3 : i32
    %scan3A = arith.constant 0 : i32
    %scan3A_5 = arith.constant 25 : i32
    %scan3A_6 = arith.addi %scan3A, %scan3A_5 : i32
    %scan3A_7 = arith.constant 1 : i32
    scf.for %scan3A_16 = %scan3A to %scan3A_6 step %scan3A_7  : i32 {
      %mul3A_17 = arith.constant 1 : i32
      %mul3A_18 = arith.muli %scan3A_16, %mul3A_17 : i32
      %add3A_19 = arith.constant 0 : i32
      %add3A_20 = arith.addi %add3A_19, %mul3A_18 : i32
      %mul3A_21 = arith.constant 8000 : i32
      %mul3A_22 = arith.muli %add3A_20, %mul3A_21 : i32
      %add3A_23 = arith.addi %mul3A_4, %mul3A_22 : i32
      %run_scoped3A = arith.constant 0 : i32
      "tpu.region"() ({
        %run_scoped3A_61 = tpu.sem_alloc : memref<!tpu.dma_semaphore, #tpu.memory_space<semaphore_mem>>
        %dma_start3A_62 = tpu.memref_slice %arg4[%run_scoped3A, %add3A_23] : memref<2x6400000xi32, #tpu.memory_space<hbm>> -> memref<1x4000xi32, #tpu.memory_space<hbm>>
        %dma_start3A_63 = tpu.memref_squeeze %dma_start3A_62 : memref<1x4000xi32, #tpu.memory_space<hbm>> -> memref<4000xi32, #tpu.memory_space<hbm>>
        %dma_start3A_64 = tpu.memref_slice %arg4[%run_scoped3A, %add3A_23] : memref<2x6400000xi32, #tpu.memory_space<hbm>> -> memref<1x4000xi32, #tpu.memory_space<hbm>>
        %dma_start3A_65 = tpu.memref_squeeze %dma_start3A_64 : memref<1x4000xi32, #tpu.memory_space<hbm>> -> memref<4000xi32, #tpu.memory_space<hbm>>
        tpu.enqueue_dma source(%dma_start3A_65 : memref<4000xi32, #tpu.memory_space<hbm>>) target(%arg12 : memref<4000xi32, #tpu.memory_space<vmem>>) target_semaphore(%run_scoped3A_61 : memref<!tpu.dma_semaphore, #tpu.memory_space<semaphore_mem>>)
        %dma_wait3A_66 = tpu.memref_slice %arg4[%run_scoped3A, %add3A_23] : memref<2x6400000xi32, #tpu.memory_space<hbm>> -> memref<1x4000xi32, #tpu.memory_space<hbm>>
        %dma_wait3A_67 = tpu.memref_squeeze %dma_wait3A_66 : memref<1x4000xi32, #tpu.memory_space<hbm>> -> memref<4000xi32, #tpu.memory_space<hbm>>
        %dma_wait3A_68 = tpu.memref_slice %arg4[%run_scoped3A, %add3A_23] : memref<2x6400000xi32, #tpu.memory_space<hbm>> -> memref<1x4000xi32, #tpu.memory_space<hbm>>
        %dma_wait3A_69 = tpu.memref_squeeze %dma_wait3A_68 : memref<1x4000xi32, #tpu.memory_space<hbm>> -> memref<4000xi32, #tpu.memory_space<hbm>>
        tpu.wait_dma2 semaphore(%run_scoped3A_61 : memref<!tpu.dma_semaphore, #tpu.memory_space<semaphore_mem>>) src(%dma_wait3A_69 : memref<4000xi32, #tpu.memory_space<hbm>>) dst(%arg12 : memref<4000xi32, #tpu.memory_space<vmem>>)
        tpu.yield
      }) : () -> ()
      %run_scoped3A_24 = arith.constant 1 : i32
      "tpu.region"() ({
        %run_scoped3A_61 = tpu.sem_alloc : memref<!tpu.dma_semaphore, #tpu.memory_space<semaphore_mem>>
        %dma_start3A_62 = tpu.memref_slice %arg4[%run_scoped3A_24, %add3A_23] : memref<2x6400000xi32, #tpu.memory_space<hbm>> -> memref<1x4000xi32, #tpu.memory_space<hbm>>
        %dma_start3A_63 = tpu.memref_squeeze %dma_start3A_62 : memref<1x4000xi32, #tpu.memory_space<hbm>> -> memref<4000xi32, #tpu.memory_space<hbm>>
        %dma_start3A_64 = tpu.memref_slice %arg4[%run_scoped3A_24, %add3A_23] : memref<2x6400000xi32, #tpu.memory_space<hbm>> -> memref<1x4000xi32, #tpu.memory_space<hbm>>
        %dma_start3A_65 = tpu.memref_squeeze %dma_start3A_64 : memref<1x4000xi32, #tpu.memory_space<hbm>> -> memref<4000xi32, #tpu.memory_space<hbm>>
        tpu.enqueue_dma source(%dma_start3A_65 : memref<4000xi32, #tpu.memory_space<hbm>>) target(%arg13 : memref<4000xi32, #tpu.memory_space<vmem>>) target_semaphore(%run_scoped3A_61 : memref<!tpu.dma_semaphore, #tpu.memory_space<semaphore_mem>>)
        %dma_wait3A_66 = tpu.memref_slice %arg4[%run_scoped3A_24, %add3A_23] : memref<2x6400000xi32, #tpu.memory_space<hbm>> -> memref<1x4000xi32, #tpu.memory_space<hbm>>
        %dma_wait3A_67 = tpu.memref_squeeze %dma_wait3A_66 : memref<1x4000xi32, #tpu.memory_space<hbm>> -> memref<4000xi32, #tpu.memory_space<hbm>>
        %dma_wait3A_68 = tpu.memref_slice %arg4[%run_scoped3A_24, %add3A_23] : memref<2x6400000xi32, #tpu.memory_space<hbm>> -> memref<1x4000xi32, #tpu.memory_space<hbm>>
        %dma_wait3A_69 = tpu.memref_squeeze %dma_wait3A_68 : memref<1x4000xi32, #tpu.memory_space<hbm>> -> memref<4000xi32, #tpu.memory_space<hbm>>
        tpu.wait_dma2 semaphore(%run_scoped3A_61 : memref<!tpu.dma_semaphore, #tpu.memory_space<semaphore_mem>>) src(%dma_wait3A_69 : memref<4000xi32, #tpu.memory_space<hbm>>) dst(%arg13 : memref<4000xi32, #tpu.memory_space<vmem>>)
        tpu.yield
      }) : () -> ()
      %dma_start3A = arith.constant 0 : i32
      %dma_start3A_25 = tpu.memref_slice %arg7[%dma_start3A] : memref<100096xf32, #tpu.memory_space<vmem_shared>> -> memref<100096xf32, #tpu.memory_space<vmem_shared>>
      tpu.enqueue_indirect_dma source(%dma_start3A_25 : memref<100096xf32, #tpu.memory_space<vmem_shared>>) target(%arg16 : memref<4000xf32, #tpu.memory_space<vmem>>) offsets(%arg12 : memref<4000xi32, #tpu.memory_space<vmem>>) semaphore(%arg20 : memref<!tpu.dma_semaphore, #tpu.memory_space<semaphore_mem>>)
      %dma_start3A_26 = arith.constant 0 : i32
      %dma_start3A_27 = tpu.memref_slice %arg8[%dma_start3A_26] : memref<100096xf32, #tpu.memory_space<vmem_shared>> -> memref<100096xf32, #tpu.memory_space<vmem_shared>>
      tpu.enqueue_indirect_dma source(%dma_start3A_27 : memref<100096xf32, #tpu.memory_space<vmem_shared>>) target(%arg17 : memref<4000xf32, #tpu.memory_space<vmem>>) offsets(%arg12 : memref<4000xi32, #tpu.memory_space<vmem>>) semaphore(%arg21 : memref<!tpu.dma_semaphore, #tpu.memory_space<semaphore_mem>>)
      %add3A_28 = arith.constant 4000 : i32
      %add3A_29 = arith.addi %add3A_23, %add3A_28 : i32
      %run_scoped3A_30 = arith.constant 0 : i32
      "tpu.region"() ({
        %run_scoped3A_61 = tpu.sem_alloc : memref<!tpu.dma_semaphore, #tpu.memory_space<semaphore_mem>>
        %dma_start3A_62 = tpu.memref_slice %arg4[%run_scoped3A_30, %add3A_29] : memref<2x6400000xi32, #tpu.memory_space<hbm>> -> memref<1x4000xi32, #tpu.memory_space<hbm>>
        %dma_start3A_63 = tpu.memref_squeeze %dma_start3A_62 : memref<1x4000xi32, #tpu.memory_space<hbm>> -> memref<4000xi32, #tpu.memory_space<hbm>>
        %dma_start3A_64 = tpu.memref_slice %arg4[%run_scoped3A_30, %add3A_29] : memref<2x6400000xi32, #tpu.memory_space<hbm>> -> memref<1x4000xi32, #tpu.memory_space<hbm>>
        %dma_start3A_65 = tpu.memref_squeeze %dma_start3A_64 : memref<1x4000xi32, #tpu.memory_space<hbm>> -> memref<4000xi32, #tpu.memory_space<hbm>>
        tpu.enqueue_dma source(%dma_start3A_65 : memref<4000xi32, #tpu.memory_space<hbm>>) target(%arg14 : memref<4000xi32, #tpu.memory_space<vmem>>) target_semaphore(%run_scoped3A_61 : memref<!tpu.dma_semaphore, #tpu.memory_space<semaphore_mem>>)
        %dma_wait3A_66 = tpu.memref_slice %arg4[%run_scoped3A_30, %add3A_29] : memref<2x6400000xi32, #tpu.memory_space<hbm>> -> memref<1x4000xi32, #tpu.memory_space<hbm>>
        %dma_wait3A_67 = tpu.memref_squeeze %dma_wait3A_66 : memref<1x4000xi32, #tpu.memory_space<hbm>> -> memref<4000xi32, #tpu.memory_space<hbm>>
        %dma_wait3A_68 = tpu.memref_slice %arg4[%run_scoped3A_30, %add3A_29] : memref<2x6400000xi32, #tpu.memory_space<hbm>> -> memref<1x4000xi32, #tpu.memory_space<hbm>>
        %dma_wait3A_69 = tpu.memref_squeeze %dma_wait3A_68 : memref<1x4000xi32, #tpu.memory_space<hbm>> -> memref<4000xi32, #tpu.memory_space<hbm>>
        tpu.wait_dma2 semaphore(%run_scoped3A_61 : memref<!tpu.dma_semaphore, #tpu.memory_space<semaphore_mem>>) src(%dma_wait3A_69 : memref<4000xi32, #tpu.memory_space<hbm>>) dst(%arg14 : memref<4000xi32, #tpu.memory_space<vmem>>)
        tpu.yield
      }) : () -> ()
      %add3A_31 = arith.constant 4000 : i32
      %add3A_32 = arith.addi %add3A_23, %add3A_31 : i32
      %run_scoped3A_33 = arith.constant 1 : i32
      "tpu.region"() ({
        %run_scoped3A_61 = tpu.sem_alloc : memref<!tpu.dma_semaphore, #tpu.memory_space<semaphore_mem>>
        %dma_start3A_62 = tpu.memref_slice %arg4[%run_scoped3A_33, %add3A_32] : memref<2x6400000xi32, #tpu.memory_space<hbm>> -> memref<1x4000xi32, #tpu.memory_space<hbm>>
        %dma_start3A_63 = tpu.memref_squeeze %dma_start3A_62 : memref<1x4000xi32, #tpu.memory_space<hbm>> -> memref<4000xi32, #tpu.memory_space<hbm>>
        %dma_start3A_64 = tpu.memref_slice %arg4[%run_scoped3A_33, %add3A_32] : memref<2x6400000xi32, #tpu.memory_space<hbm>> -> memref<1x4000xi32, #tpu.memory_space<hbm>>
        %dma_start3A_65 = tpu.memref_squeeze %dma_start3A_64 : memref<1x4000xi32, #tpu.memory_space<hbm>> -> memref<4000xi32, #tpu.memory_space<hbm>>
        tpu.enqueue_dma source(%dma_start3A_65 : memref<4000xi32, #tpu.memory_space<hbm>>) target(%arg15 : memref<4000xi32, #tpu.memory_space<vmem>>) target_semaphore(%run_scoped3A_61 : memref<!tpu.dma_semaphore, #tpu.memory_space<semaphore_mem>>)
        %dma_wait3A_66 = tpu.memref_slice %arg4[%run_scoped3A_33, %add3A_32] : memref<2x6400000xi32, #tpu.memory_space<hbm>> -> memref<1x4000xi32, #tpu.memory_space<hbm>>
        %dma_wait3A_67 = tpu.memref_squeeze %dma_wait3A_66 : memref<1x4000xi32, #tpu.memory_space<hbm>> -> memref<4000xi32, #tpu.memory_space<hbm>>
        %dma_wait3A_68 = tpu.memref_slice %arg4[%run_scoped3A_33, %add3A_32] : memref<2x6400000xi32, #tpu.memory_space<hbm>> -> memref<1x4000xi32, #tpu.memory_space<hbm>>
        %dma_wait3A_69 = tpu.memref_squeeze %dma_wait3A_68 : memref<1x4000xi32, #tpu.memory_space<hbm>> -> memref<4000xi32, #tpu.memory_space<hbm>>
        tpu.wait_dma2 semaphore(%run_scoped3A_61 : memref<!tpu.dma_semaphore, #tpu.memory_space<semaphore_mem>>) src(%dma_wait3A_69 : memref<4000xi32, #tpu.memory_space<hbm>>) dst(%arg15 : memref<4000xi32, #tpu.memory_space<vmem>>)
        tpu.yield
      }) : () -> ()
      %dma_wait3A = arith.constant 0 : i32
      %dma_wait3A_34 = tpu.memref_slice %arg7[%dma_wait3A] : memref<100096xf32, #tpu.memory_space<vmem_shared>> -> memref<100096xf32, #tpu.memory_space<vmem_shared>>
      tpu.wait_indirect_dma semaphore(%arg20 : memref<!tpu.dma_semaphore, #tpu.memory_space<semaphore_mem>>) src(%dma_wait3A_34 : memref<100096xf32, #tpu.memory_space<vmem_shared>>) dst(%arg16 : memref<4000xf32, #tpu.memory_space<vmem>>)
      %dma_wait3A_35 = arith.constant 0 : i32
      %dma_wait3A_36 = tpu.memref_slice %arg8[%dma_wait3A_35] : memref<100096xf32, #tpu.memory_space<vmem_shared>> -> memref<100096xf32, #tpu.memory_space<vmem_shared>>
      tpu.wait_indirect_dma semaphore(%arg21 : memref<!tpu.dma_semaphore, #tpu.memory_space<semaphore_mem>>) src(%dma_wait3A_36 : memref<100096xf32, #tpu.memory_space<vmem_shared>>) dst(%arg17 : memref<4000xf32, #tpu.memory_space<vmem>>)
      %dma_start3A_37 = arith.constant 0 : i32
      %dma_start3A_38 = tpu.memref_slice %arg9[%dma_start3A_37] : memref<100096xf32, #tpu.memory_space<vmem_shared>> -> memref<100096xf32, #tpu.memory_space<vmem_shared>>
      tpu.enqueue_indirect_dma source(%arg16 : memref<4000xf32, #tpu.memory_space<vmem>>) target(%dma_start3A_38 : memref<100096xf32, #tpu.memory_space<vmem_shared>>) offsets(%arg13 : memref<4000xi32, #tpu.memory_space<vmem>>) semaphore(%arg22 : memref<!tpu.dma_semaphore, #tpu.memory_space<semaphore_mem>>) {add = true}
      %dma_start3A_39 = arith.constant 0 : i32
      %dma_start3A_40 = tpu.memref_slice %arg10[%dma_start3A_39] : memref<100096xf32, #tpu.memory_space<vmem_shared>> -> memref<100096xf32, #tpu.memory_space<vmem_shared>>
      tpu.enqueue_indirect_dma source(%arg17 : memref<4000xf32, #tpu.memory_space<vmem>>) target(%dma_start3A_40 : memref<100096xf32, #tpu.memory_space<vmem_shared>>) offsets(%arg13 : memref<4000xi32, #tpu.memory_space<vmem>>) semaphore(%arg23 : memref<!tpu.dma_semaphore, #tpu.memory_space<semaphore_mem>>) {add = true}
      %dma_start3A_41 = arith.constant 0 : i32
      %dma_start3A_42 = tpu.memref_slice %arg7[%dma_start3A_41] : memref<100096xf32, #tpu.memory_space<vmem_shared>> -> memref<100096xf32, #tpu.memory_space<vmem_shared>>
      tpu.enqueue_indirect_dma source(%dma_start3A_42 : memref<100096xf32, #tpu.memory_space<vmem_shared>>) target(%arg18 : memref<4000xf32, #tpu.memory_space<vmem>>) offsets(%arg14 : memref<4000xi32, #tpu.memory_space<vmem>>) semaphore(%arg20 : memref<!tpu.dma_semaphore, #tpu.memory_space<semaphore_mem>>)
      %dma_start3A_43 = arith.constant 0 : i32
      %dma_start3A_44 = tpu.memref_slice %arg8[%dma_start3A_43] : memref<100096xf32, #tpu.memory_space<vmem_shared>> -> memref<100096xf32, #tpu.memory_space<vmem_shared>>
      tpu.enqueue_indirect_dma source(%dma_start3A_44 : memref<100096xf32, #tpu.memory_space<vmem_shared>>) target(%arg19 : memref<4000xf32, #tpu.memory_space<vmem>>) offsets(%arg14 : memref<4000xi32, #tpu.memory_space<vmem>>) semaphore(%arg21 : memref<!tpu.dma_semaphore, #tpu.memory_space<semaphore_mem>>)
      %dma_wait3A_45 = arith.constant 0 : i32
      %dma_wait3A_46 = tpu.memref_slice %arg7[%dma_wait3A_45] : memref<100096xf32, #tpu.memory_space<vmem_shared>> -> memref<100096xf32, #tpu.memory_space<vmem_shared>>
      tpu.wait_indirect_dma semaphore(%arg20 : memref<!tpu.dma_semaphore, #tpu.memory_space<semaphore_mem>>) src(%dma_wait3A_46 : memref<100096xf32, #tpu.memory_space<vmem_shared>>) dst(%arg18 : memref<4000xf32, #tpu.memory_space<vmem>>)
      %dma_wait3A_47 = arith.constant 0 : i32
      %dma_wait3A_48 = tpu.memref_slice %arg8[%dma_wait3A_47] : memref<100096xf32, #tpu.memory_space<vmem_shared>> -> memref<100096xf32, #tpu.memory_space<vmem_shared>>
      tpu.wait_indirect_dma semaphore(%arg21 : memref<!tpu.dma_semaphore, #tpu.memory_space<semaphore_mem>>) src(%dma_wait3A_48 : memref<100096xf32, #tpu.memory_space<vmem_shared>>) dst(%arg19 : memref<4000xf32, #tpu.memory_space<vmem>>)
      %dma_start3A_49 = arith.constant 0 : i32
      %dma_start3A_50 = tpu.memref_slice %arg9[%dma_start3A_49] : memref<100096xf32, #tpu.memory_space<vmem_shared>> -> memref<100096xf32, #tpu.memory_space<vmem_shared>>
      tpu.enqueue_indirect_dma source(%arg18 : memref<4000xf32, #tpu.memory_space<vmem>>) target(%dma_start3A_50 : memref<100096xf32, #tpu.memory_space<vmem_shared>>) offsets(%arg15 : memref<4000xi32, #tpu.memory_space<vmem>>) semaphore(%arg24 : memref<!tpu.dma_semaphore, #tpu.memory_space<semaphore_mem>>) {add = true}
      %dma_start3A_51 = arith.constant 0 : i32
      %dma_start3A_52 = tpu.memref_slice %arg10[%dma_start3A_51] : memref<100096xf32, #tpu.memory_space<vmem_shared>> -> memref<100096xf32, #tpu.memory_space<vmem_shared>>
      tpu.enqueue_indirect_dma source(%arg19 : memref<4000xf32, #tpu.memory_space<vmem>>) target(%dma_start3A_52 : memref<100096xf32, #tpu.memory_space<vmem_shared>>) offsets(%arg15 : memref<4000xi32, #tpu.memory_space<vmem>>) semaphore(%arg25 : memref<!tpu.dma_semaphore, #tpu.memory_space<semaphore_mem>>) {add = true}
      %dma_wait3A_53 = arith.constant 0 : i32
      %dma_wait3A_54 = tpu.memref_slice %arg9[%dma_wait3A_53] : memref<100096xf32, #tpu.memory_space<vmem_shared>> -> memref<100096xf32, #tpu.memory_space<vmem_shared>>
      tpu.wait_indirect_dma semaphore(%arg22 : memref<!tpu.dma_semaphore, #tpu.memory_space<semaphore_mem>>) src(%arg16 : memref<4000xf32, #tpu.memory_space<vmem>>) dst(%dma_wait3A_54 : memref<100096xf32, #tpu.memory_space<vmem_shared>>)
      %dma_wait3A_55 = arith.constant 0 : i32
      %dma_wait3A_56 = tpu.memref_slice %arg10[%dma_wait3A_55] : memref<100096xf32, #tpu.memory_space<vmem_shared>> -> memref<100096xf32, #tpu.memory_space<vmem_shared>>
      tpu.wait_indirect_dma semaphore(%arg23 : memref<!tpu.dma_semaphore, #tpu.memory_space<semaphore_mem>>) src(%arg17 : memref<4000xf32, #tpu.memory_space<vmem>>) dst(%dma_wait3A_56 : memref<100096xf32, #tpu.memory_space<vmem_shared>>)
      %dma_wait3A_57 = arith.constant 0 : i32
      %dma_wait3A_58 = tpu.memref_slice %arg9[%dma_wait3A_57] : memref<100096xf32, #tpu.memory_space<vmem_shared>> -> memref<100096xf32, #tpu.memory_space<vmem_shared>>
      tpu.wait_indirect_dma semaphore(%arg24 : memref<!tpu.dma_semaphore, #tpu.memory_space<semaphore_mem>>) src(%arg18 : memref<4000xf32, #tpu.memory_space<vmem>>) dst(%dma_wait3A_58 : memref<100096xf32, #tpu.memory_space<vmem_shared>>)
      %dma_wait3A_59 = arith.constant 0 : i32
      %dma_wait3A_60 = tpu.memref_slice %arg10[%dma_wait3A_59] : memref<100096xf32, #tpu.memory_space<vmem_shared>> -> memref<100096xf32, #tpu.memory_space<vmem_shared>>
      tpu.wait_indirect_dma semaphore(%arg25 : memref<!tpu.dma_semaphore, #tpu.memory_space<semaphore_mem>>) src(%arg19 : memref<4000xf32, #tpu.memory_space<vmem>>) dst(%dma_wait3A_60 : memref<100096xf32, #tpu.memory_space<vmem_shared>>)
    }
    %scan3A_8 = arith.constant 25 : i32
    %barrier3A_9 = arith.constant 0 : index
    tpu.barrier barrier_id(%barrier3A_9)
    "tpu.region"() ({
      %run_scoped3A = tpu.sem_alloc : memref<!tpu.dma_semaphore, #tpu.memory_space<semaphore_mem>>
      %dma_start3A = tpu.memref_slice %arg9[%mul3A_2] : memref<100096xf32, #tpu.memory_space<vmem_shared>> -> memref<6256xf32, #tpu.memory_space<vmem_shared>>
      %dma_start3A_16 = tpu.memref_slice %arg9[%mul3A_2] : memref<100096xf32, #tpu.memory_space<vmem_shared>> -> memref<6256xf32, #tpu.memory_space<vmem_shared>>
      tpu.enqueue_dma source(%dma_start3A_16 : memref<6256xf32, #tpu.memory_space<vmem_shared>>) target(%arg11 : memref<6256xf32, #tpu.memory_space<vmem>>) target_semaphore(%run_scoped3A : memref<!tpu.dma_semaphore, #tpu.memory_space<semaphore_mem>>)
      %dma_wait3A = tpu.memref_slice %arg9[%mul3A_2] : memref<100096xf32, #tpu.memory_space<vmem_shared>> -> memref<6256xf32, #tpu.memory_space<vmem_shared>>
      %dma_wait3A_17 = tpu.memref_slice %arg9[%mul3A_2] : memref<100096xf32, #tpu.memory_space<vmem_shared>> -> memref<6256xf32, #tpu.memory_space<vmem_shared>>
      tpu.wait_dma2 semaphore(%run_scoped3A : memref<!tpu.dma_semaphore, #tpu.memory_space<semaphore_mem>>) src(%dma_wait3A_17 : memref<6256xf32, #tpu.memory_space<vmem_shared>>) dst(%arg11 : memref<6256xf32, #tpu.memory_space<vmem>>)
      tpu.yield
    }) : () -> ()
    %mul3A_10 = arith.constant 100096 : i32
    %mul3A_11 = arith.muli %arg0, %mul3A_10 : i32
    %add3A_12 = arith.addi %mul3A_11, %mul3A_2 : i32
    "tpu.region"() ({
      %run_scoped3A = tpu.sem_alloc : memref<!tpu.dma_semaphore, #tpu.memory_space<semaphore_mem>>
      %dma_start3A = tpu.memref_slice %arg5[%add3A_12] : memref<200192xf32, #tpu.memory_space<hbm>> -> memref<6256xf32, #tpu.memory_space<hbm>>
      %dma_start3A_16 = tpu.memref_slice %arg5[%add3A_12] : memref<200192xf32, #tpu.memory_space<hbm>> -> memref<6256xf32, #tpu.memory_space<hbm>>
      tpu.enqueue_dma source(%arg11 : memref<6256xf32, #tpu.memory_space<vmem>>) target(%dma_start3A_16 : memref<6256xf32, #tpu.memory_space<hbm>>) target_semaphore(%run_scoped3A : memref<!tpu.dma_semaphore, #tpu.memory_space<semaphore_mem>>)
      %dma_wait3A = tpu.memref_slice %arg5[%add3A_12] : memref<200192xf32, #tpu.memory_space<hbm>> -> memref<6256xf32, #tpu.memory_space<hbm>>
      %dma_wait3A_17 = tpu.memref_slice %arg5[%add3A_12] : memref<200192xf32, #tpu.memory_space<hbm>> -> memref<6256xf32, #tpu.memory_space<hbm>>
      tpu.wait_dma2 semaphore(%run_scoped3A : memref<!tpu.dma_semaphore, #tpu.memory_space<semaphore_mem>>) src(%arg11 : memref<6256xf32, #tpu.memory_space<vmem>>) dst(%dma_wait3A_17 : memref<6256xf32, #tpu.memory_space<hbm>>)
      tpu.yield
    }) : () -> ()
    "tpu.region"() ({
      %run_scoped3A = tpu.sem_alloc : memref<!tpu.dma_semaphore, #tpu.memory_space<semaphore_mem>>
      %dma_start3A = tpu.memref_slice %arg10[%mul3A_2] : memref<100096xf32, #tpu.memory_space<vmem_shared>> -> memref<6256xf32, #tpu.memory_space<vmem_shared>>
      %dma_start3A_16 = tpu.memref_slice %arg10[%mul3A_2] : memref<100096xf32, #tpu.memory_space<vmem_shared>> -> memref<6256xf32, #tpu.memory_space<vmem_shared>>
      tpu.enqueue_dma source(%dma_start3A_16 : memref<6256xf32, #tpu.memory_space<vmem_shared>>) target(%arg11 : memref<6256xf32, #tpu.memory_space<vmem>>) target_semaphore(%run_scoped3A : memref<!tpu.dma_semaphore, #tpu.memory_space<semaphore_mem>>)
      %dma_wait3A = tpu.memref_slice %arg10[%mul3A_2] : memref<100096xf32, #tpu.memory_space<vmem_shared>> -> memref<6256xf32, #tpu.memory_space<vmem_shared>>
      %dma_wait3A_17 = tpu.memref_slice %arg10[%mul3A_2] : memref<100096xf32, #tpu.memory_space<vmem_shared>> -> memref<6256xf32, #tpu.memory_space<vmem_shared>>
      tpu.wait_dma2 semaphore(%run_scoped3A : memref<!tpu.dma_semaphore, #tpu.memory_space<semaphore_mem>>) src(%dma_wait3A_17 : memref<6256xf32, #tpu.memory_space<vmem_shared>>) dst(%arg11 : memref<6256xf32, #tpu.memory_space<vmem>>)
      tpu.yield
    }) : () -> ()
    %mul3A_13 = arith.constant 100096 : i32
    %mul3A_14 = arith.muli %arg0, %mul3A_13 : i32
    %add3A_15 = arith.addi %mul3A_14, %mul3A_2 : i32
    "tpu.region"() ({
      %run_scoped3A = tpu.sem_alloc : memref<!tpu.dma_semaphore, #tpu.memory_space<semaphore_mem>>
      %dma_start3A = tpu.memref_slice %arg6[%add3A_15] : memref<200192xf32, #tpu.memory_space<hbm>> -> memref<6256xf32, #tpu.memory_space<hbm>>
      %dma_start3A_16 = tpu.memref_slice %arg6[%add3A_15] : memref<200192xf32, #tpu.memory_space<hbm>> -> memref<6256xf32, #tpu.memory_space<hbm>>
      tpu.enqueue_dma source(%arg11 : memref<6256xf32, #tpu.memory_space<vmem>>) target(%dma_start3A_16 : memref<6256xf32, #tpu.memory_space<hbm>>) target_semaphore(%run_scoped3A : memref<!tpu.dma_semaphore, #tpu.memory_space<semaphore_mem>>)
      %dma_wait3A = tpu.memref_slice %arg6[%add3A_15] : memref<200192xf32, #tpu.memory_space<hbm>> -> memref<6256xf32, #tpu.memory_space<hbm>>
      %dma_wait3A_17 = tpu.memref_slice %arg6[%add3A_15] : memref<200192xf32, #tpu.memory_space<hbm>> -> memref<6256xf32, #tpu.memory_space<hbm>>
      tpu.wait_dma2 semaphore(%run_scoped3A : memref<!tpu.dma_semaphore, #tpu.memory_space<semaphore_mem>>) src(%arg11 : memref<6256xf32, #tpu.memory_space<vmem>>) dst(%dma_wait3A_17 : memref<6256xf32, #tpu.memory_space<hbm>>)
      tpu.yield
    }) : () -> ()
    return
  }
}

#map = affine_map<(d0, d1) -> (0)>
#map1 = affine_map<(d0, d1) -> (0, 0)>
module attributes {stable_mosaic.version = 14 : i64} {
  func.func @_sc_aggregate1(%arg0: i32, %arg1: i32, %arg2: memref<100096xf32, #tpu.memory_space<hbm>>, %arg3: memref<2x6400000xi32, #tpu.memory_space<hbm>>, %arg4: memref<200192xf32, #tpu.memory_space<hbm>>, %arg5: memref<100096xf32, #tpu.memory_space<vmem_shared>>, %arg6: memref<100096xf32, #tpu.memory_space<vmem_shared>>, %arg7: memref<6256xf32, #tpu.memory_space<vmem>>, %arg8: memref<4000xi32, #tpu.memory_space<vmem>>, %arg9: memref<4000xi32, #tpu.memory_space<vmem>>, %arg10: memref<4000xi32, #tpu.memory_space<vmem>>, %arg11: memref<4000xi32, #tpu.memory_space<vmem>>, %arg12: memref<4000xf32, #tpu.memory_space<vmem>>, %arg13: memref<4000xf32, #tpu.memory_space<vmem>>, %arg14: memref<!tpu.dma_semaphore, #tpu.memory_space<semaphore_mem>>, %arg15: memref<!tpu.dma_semaphore, #tpu.memory_space<semaphore_mem>>, %arg16: memref<!tpu.dma_semaphore, #tpu.memory_space<semaphore_mem>>) attributes {dimension_semantics = [#tpu.dimension_semantics<core_parallel>, #tpu.dimension_semantics<subcore_parallel>], iteration_bounds = array<i64: 2, 16>, scalar_prefetch = 0 : i64, scratch_operands = 12 : i64, tpu.core_type = #tpu.core_type<sc_vector_subcore>, window_params = [{transform_indices = #map}, {transform_indices = #map1}, {transform_indices = #map}]} {
    %mul3A = arith.constant 16 : i32
    %mul3A_0 = arith.muli %arg0, %mul3A : i32
    %add3A = arith.addi %mul3A_0, %arg1 : i32
    %mul3A_1 = arith.constant 6256 : i32
    %mul3A_2 = arith.muli %arg1, %mul3A_1 : i32
    "tpu.region"() ({
      %run_scoped3A = tpu.sem_alloc : memref<!tpu.dma_semaphore, #tpu.memory_space<semaphore_mem>>
      %dma_start3A = tpu.memref_slice %arg2[%mul3A_2] : memref<100096xf32, #tpu.memory_space<hbm>> -> memref<6256xf32, #tpu.memory_space<hbm>>
      %dma_start3A_13 = tpu.memref_slice %arg2[%mul3A_2] : memref<100096xf32, #tpu.memory_space<hbm>> -> memref<6256xf32, #tpu.memory_space<hbm>>
      tpu.enqueue_dma source(%dma_start3A_13 : memref<6256xf32, #tpu.memory_space<hbm>>) target(%arg7 : memref<6256xf32, #tpu.memory_space<vmem>>) target_semaphore(%run_scoped3A : memref<!tpu.dma_semaphore, #tpu.memory_space<semaphore_mem>>)
      %dma_wait3A = tpu.memref_slice %arg2[%mul3A_2] : memref<100096xf32, #tpu.memory_space<hbm>> -> memref<6256xf32, #tpu.memory_space<hbm>>
      %dma_wait3A_14 = tpu.memref_slice %arg2[%mul3A_2] : memref<100096xf32, #tpu.memory_space<hbm>> -> memref<6256xf32, #tpu.memory_space<hbm>>
      tpu.wait_dma2 semaphore(%run_scoped3A : memref<!tpu.dma_semaphore, #tpu.memory_space<semaphore_mem>>) src(%dma_wait3A_14 : memref<6256xf32, #tpu.memory_space<hbm>>) dst(%arg7 : memref<6256xf32, #tpu.memory_space<vmem>>)
      tpu.yield
    }) : () -> ()
    "tpu.region"() ({
      %run_scoped3A = tpu.sem_alloc : memref<!tpu.dma_semaphore, #tpu.memory_space<semaphore_mem>>
      %dma_start3A = tpu.memref_slice %arg5[%mul3A_2] : memref<100096xf32, #tpu.memory_space<vmem_shared>> -> memref<6256xf32, #tpu.memory_space<vmem_shared>>
      %dma_start3A_13 = tpu.memref_slice %arg5[%mul3A_2] : memref<100096xf32, #tpu.memory_space<vmem_shared>> -> memref<6256xf32, #tpu.memory_space<vmem_shared>>
      tpu.enqueue_dma source(%arg7 : memref<6256xf32, #tpu.memory_space<vmem>>) target(%dma_start3A_13 : memref<6256xf32, #tpu.memory_space<vmem_shared>>) target_semaphore(%run_scoped3A : memref<!tpu.dma_semaphore, #tpu.memory_space<semaphore_mem>>)
      %dma_wait3A = tpu.memref_slice %arg5[%mul3A_2] : memref<100096xf32, #tpu.memory_space<vmem_shared>> -> memref<6256xf32, #tpu.memory_space<vmem_shared>>
      %dma_wait3A_14 = tpu.memref_slice %arg5[%mul3A_2] : memref<100096xf32, #tpu.memory_space<vmem_shared>> -> memref<6256xf32, #tpu.memory_space<vmem_shared>>
      tpu.wait_dma2 semaphore(%run_scoped3A : memref<!tpu.dma_semaphore, #tpu.memory_space<semaphore_mem>>) src(%arg7 : memref<6256xf32, #tpu.memory_space<vmem>>) dst(%dma_wait3A_14 : memref<6256xf32, #tpu.memory_space<vmem_shared>>)
      tpu.yield
    }) : () -> ()
    "tpu.region"() ({
      %run_scoped3A = tpu.sem_alloc : memref<!tpu.dma_semaphore, #tpu.memory_space<semaphore_mem>>
      %dma_start3A = tpu.memref_slice %arg6[%mul3A_2] : memref<100096xf32, #tpu.memory_space<vmem_shared>> -> memref<6256xf32, #tpu.memory_space<vmem_shared>>
      %dma_start3A_13 = tpu.memref_slice %arg6[%mul3A_2] : memref<100096xf32, #tpu.memory_space<vmem_shared>> -> memref<6256xf32, #tpu.memory_space<vmem_shared>>
      tpu.enqueue_dma source(%arg7 : memref<6256xf32, #tpu.memory_space<vmem>>) target(%dma_start3A_13 : memref<6256xf32, #tpu.memory_space<vmem_shared>>) target_semaphore(%run_scoped3A : memref<!tpu.dma_semaphore, #tpu.memory_space<semaphore_mem>>)
      %dma_wait3A = tpu.memref_slice %arg6[%mul3A_2] : memref<100096xf32, #tpu.memory_space<vmem_shared>> -> memref<6256xf32, #tpu.memory_space<vmem_shared>>
      %dma_wait3A_14 = tpu.memref_slice %arg6[%mul3A_2] : memref<100096xf32, #tpu.memory_space<vmem_shared>> -> memref<6256xf32, #tpu.memory_space<vmem_shared>>
      tpu.wait_dma2 semaphore(%run_scoped3A : memref<!tpu.dma_semaphore, #tpu.memory_space<semaphore_mem>>) src(%arg7 : memref<6256xf32, #tpu.memory_space<vmem>>) dst(%dma_wait3A_14 : memref<6256xf32, #tpu.memory_space<vmem_shared>>)
      tpu.yield
    }) : () -> ()
    %barrier3A = arith.constant 0 : index
    tpu.barrier barrier_id(%barrier3A)
    %mul3A_3 = arith.constant 200000 : i32
    %mul3A_4 = arith.muli %add3A, %mul3A_3 : i32
    %scan3A = arith.constant 0 : i32
    %scan3A_5 = arith.constant 25 : i32
    %scan3A_6 = arith.addi %scan3A, %scan3A_5 : i32
    %scan3A_7 = arith.constant 1 : i32
    scf.for %scan3A_13 = %scan3A to %scan3A_6 step %scan3A_7  : i32 {
      %mul3A_14 = arith.constant 1 : i32
      %mul3A_15 = arith.muli %scan3A_13, %mul3A_14 : i32
      %add3A_16 = arith.constant 0 : i32
      %add3A_17 = arith.addi %add3A_16, %mul3A_15 : i32
      %mul3A_18 = arith.constant 8000 : i32
      %mul3A_19 = arith.muli %add3A_17, %mul3A_18 : i32
      %add3A_20 = arith.addi %mul3A_4, %mul3A_19 : i32
      %run_scoped3A = arith.constant 0 : i32
      "tpu.region"() ({
        %run_scoped3A_42 = tpu.sem_alloc : memref<!tpu.dma_semaphore, #tpu.memory_space<semaphore_mem>>
        %dma_start3A_43 = tpu.memref_slice %arg3[%run_scoped3A, %add3A_20] : memref<2x6400000xi32, #tpu.memory_space<hbm>> -> memref<1x4000xi32, #tpu.memory_space<hbm>>
        %dma_start3A_44 = tpu.memref_squeeze %dma_start3A_43 : memref<1x4000xi32, #tpu.memory_space<hbm>> -> memref<4000xi32, #tpu.memory_space<hbm>>
        %dma_start3A_45 = tpu.memref_slice %arg3[%run_scoped3A, %add3A_20] : memref<2x6400000xi32, #tpu.memory_space<hbm>> -> memref<1x4000xi32, #tpu.memory_space<hbm>>
        %dma_start3A_46 = tpu.memref_squeeze %dma_start3A_45 : memref<1x4000xi32, #tpu.memory_space<hbm>> -> memref<4000xi32, #tpu.memory_space<hbm>>
        tpu.enqueue_dma source(%dma_start3A_46 : memref<4000xi32, #tpu.memory_space<hbm>>) target(%arg8 : memref<4000xi32, #tpu.memory_space<vmem>>) target_semaphore(%run_scoped3A_42 : memref<!tpu.dma_semaphore, #tpu.memory_space<semaphore_mem>>)
        %dma_wait3A_47 = tpu.memref_slice %arg3[%run_scoped3A, %add3A_20] : memref<2x6400000xi32, #tpu.memory_space<hbm>> -> memref<1x4000xi32, #tpu.memory_space<hbm>>
        %dma_wait3A_48 = tpu.memref_squeeze %dma_wait3A_47 : memref<1x4000xi32, #tpu.memory_space<hbm>> -> memref<4000xi32, #tpu.memory_space<hbm>>
        %dma_wait3A_49 = tpu.memref_slice %arg3[%run_scoped3A, %add3A_20] : memref<2x6400000xi32, #tpu.memory_space<hbm>> -> memref<1x4000xi32, #tpu.memory_space<hbm>>
        %dma_wait3A_50 = tpu.memref_squeeze %dma_wait3A_49 : memref<1x4000xi32, #tpu.memory_space<hbm>> -> memref<4000xi32, #tpu.memory_space<hbm>>
        tpu.wait_dma2 semaphore(%run_scoped3A_42 : memref<!tpu.dma_semaphore, #tpu.memory_space<semaphore_mem>>) src(%dma_wait3A_50 : memref<4000xi32, #tpu.memory_space<hbm>>) dst(%arg8 : memref<4000xi32, #tpu.memory_space<vmem>>)
        tpu.yield
      }) : () -> ()
      %run_scoped3A_21 = arith.constant 1 : i32
      "tpu.region"() ({
        %run_scoped3A_42 = tpu.sem_alloc : memref<!tpu.dma_semaphore, #tpu.memory_space<semaphore_mem>>
        %dma_start3A_43 = tpu.memref_slice %arg3[%run_scoped3A_21, %add3A_20] : memref<2x6400000xi32, #tpu.memory_space<hbm>> -> memref<1x4000xi32, #tpu.memory_space<hbm>>
        %dma_start3A_44 = tpu.memref_squeeze %dma_start3A_43 : memref<1x4000xi32, #tpu.memory_space<hbm>> -> memref<4000xi32, #tpu.memory_space<hbm>>
        %dma_start3A_45 = tpu.memref_slice %arg3[%run_scoped3A_21, %add3A_20] : memref<2x6400000xi32, #tpu.memory_space<hbm>> -> memref<1x4000xi32, #tpu.memory_space<hbm>>
        %dma_start3A_46 = tpu.memref_squeeze %dma_start3A_45 : memref<1x4000xi32, #tpu.memory_space<hbm>> -> memref<4000xi32, #tpu.memory_space<hbm>>
        tpu.enqueue_dma source(%dma_start3A_46 : memref<4000xi32, #tpu.memory_space<hbm>>) target(%arg9 : memref<4000xi32, #tpu.memory_space<vmem>>) target_semaphore(%run_scoped3A_42 : memref<!tpu.dma_semaphore, #tpu.memory_space<semaphore_mem>>)
        %dma_wait3A_47 = tpu.memref_slice %arg3[%run_scoped3A_21, %add3A_20] : memref<2x6400000xi32, #tpu.memory_space<hbm>> -> memref<1x4000xi32, #tpu.memory_space<hbm>>
        %dma_wait3A_48 = tpu.memref_squeeze %dma_wait3A_47 : memref<1x4000xi32, #tpu.memory_space<hbm>> -> memref<4000xi32, #tpu.memory_space<hbm>>
        %dma_wait3A_49 = tpu.memref_slice %arg3[%run_scoped3A_21, %add3A_20] : memref<2x6400000xi32, #tpu.memory_space<hbm>> -> memref<1x4000xi32, #tpu.memory_space<hbm>>
        %dma_wait3A_50 = tpu.memref_squeeze %dma_wait3A_49 : memref<1x4000xi32, #tpu.memory_space<hbm>> -> memref<4000xi32, #tpu.memory_space<hbm>>
        tpu.wait_dma2 semaphore(%run_scoped3A_42 : memref<!tpu.dma_semaphore, #tpu.memory_space<semaphore_mem>>) src(%dma_wait3A_50 : memref<4000xi32, #tpu.memory_space<hbm>>) dst(%arg9 : memref<4000xi32, #tpu.memory_space<vmem>>)
        tpu.yield
      }) : () -> ()
      %dma_start3A = arith.constant 0 : i32
      %dma_start3A_22 = tpu.memref_slice %arg5[%dma_start3A] : memref<100096xf32, #tpu.memory_space<vmem_shared>> -> memref<100096xf32, #tpu.memory_space<vmem_shared>>
      tpu.enqueue_indirect_dma source(%dma_start3A_22 : memref<100096xf32, #tpu.memory_space<vmem_shared>>) target(%arg12 : memref<4000xf32, #tpu.memory_space<vmem>>) offsets(%arg8 : memref<4000xi32, #tpu.memory_space<vmem>>) semaphore(%arg14 : memref<!tpu.dma_semaphore, #tpu.memory_space<semaphore_mem>>)
      %add3A_23 = arith.constant 4000 : i32
      %add3A_24 = arith.addi %add3A_20, %add3A_23 : i32
      %run_scoped3A_25 = arith.constant 0 : i32
      "tpu.region"() ({
        %run_scoped3A_42 = tpu.sem_alloc : memref<!tpu.dma_semaphore, #tpu.memory_space<semaphore_mem>>
        %dma_start3A_43 = tpu.memref_slice %arg3[%run_scoped3A_25, %add3A_24] : memref<2x6400000xi32, #tpu.memory_space<hbm>> -> memref<1x4000xi32, #tpu.memory_space<hbm>>
        %dma_start3A_44 = tpu.memref_squeeze %dma_start3A_43 : memref<1x4000xi32, #tpu.memory_space<hbm>> -> memref<4000xi32, #tpu.memory_space<hbm>>
        %dma_start3A_45 = tpu.memref_slice %arg3[%run_scoped3A_25, %add3A_24] : memref<2x6400000xi32, #tpu.memory_space<hbm>> -> memref<1x4000xi32, #tpu.memory_space<hbm>>
        %dma_start3A_46 = tpu.memref_squeeze %dma_start3A_45 : memref<1x4000xi32, #tpu.memory_space<hbm>> -> memref<4000xi32, #tpu.memory_space<hbm>>
        tpu.enqueue_dma source(%dma_start3A_46 : memref<4000xi32, #tpu.memory_space<hbm>>) target(%arg10 : memref<4000xi32, #tpu.memory_space<vmem>>) target_semaphore(%run_scoped3A_42 : memref<!tpu.dma_semaphore, #tpu.memory_space<semaphore_mem>>)
        %dma_wait3A_47 = tpu.memref_slice %arg3[%run_scoped3A_25, %add3A_24] : memref<2x6400000xi32, #tpu.memory_space<hbm>> -> memref<1x4000xi32, #tpu.memory_space<hbm>>
        %dma_wait3A_48 = tpu.memref_squeeze %dma_wait3A_47 : memref<1x4000xi32, #tpu.memory_space<hbm>> -> memref<4000xi32, #tpu.memory_space<hbm>>
        %dma_wait3A_49 = tpu.memref_slice %arg3[%run_scoped3A_25, %add3A_24] : memref<2x6400000xi32, #tpu.memory_space<hbm>> -> memref<1x4000xi32, #tpu.memory_space<hbm>>
        %dma_wait3A_50 = tpu.memref_squeeze %dma_wait3A_49 : memref<1x4000xi32, #tpu.memory_space<hbm>> -> memref<4000xi32, #tpu.memory_space<hbm>>
        tpu.wait_dma2 semaphore(%run_scoped3A_42 : memref<!tpu.dma_semaphore, #tpu.memory_space<semaphore_mem>>) src(%dma_wait3A_50 : memref<4000xi32, #tpu.memory_space<hbm>>) dst(%arg10 : memref<4000xi32, #tpu.memory_space<vmem>>)
        tpu.yield
      }) : () -> ()
      %add3A_26 = arith.constant 4000 : i32
      %add3A_27 = arith.addi %add3A_20, %add3A_26 : i32
      %run_scoped3A_28 = arith.constant 1 : i32
      "tpu.region"() ({
        %run_scoped3A_42 = tpu.sem_alloc : memref<!tpu.dma_semaphore, #tpu.memory_space<semaphore_mem>>
        %dma_start3A_43 = tpu.memref_slice %arg3[%run_scoped3A_28, %add3A_27] : memref<2x6400000xi32, #tpu.memory_space<hbm>> -> memref<1x4000xi32, #tpu.memory_space<hbm>>
        %dma_start3A_44 = tpu.memref_squeeze %dma_start3A_43 : memref<1x4000xi32, #tpu.memory_space<hbm>> -> memref<4000xi32, #tpu.memory_space<hbm>>
        %dma_start3A_45 = tpu.memref_slice %arg3[%run_scoped3A_28, %add3A_27] : memref<2x6400000xi32, #tpu.memory_space<hbm>> -> memref<1x4000xi32, #tpu.memory_space<hbm>>
        %dma_start3A_46 = tpu.memref_squeeze %dma_start3A_45 : memref<1x4000xi32, #tpu.memory_space<hbm>> -> memref<4000xi32, #tpu.memory_space<hbm>>
        tpu.enqueue_dma source(%dma_start3A_46 : memref<4000xi32, #tpu.memory_space<hbm>>) target(%arg11 : memref<4000xi32, #tpu.memory_space<vmem>>) target_semaphore(%run_scoped3A_42 : memref<!tpu.dma_semaphore, #tpu.memory_space<semaphore_mem>>)
        %dma_wait3A_47 = tpu.memref_slice %arg3[%run_scoped3A_28, %add3A_27] : memref<2x6400000xi32, #tpu.memory_space<hbm>> -> memref<1x4000xi32, #tpu.memory_space<hbm>>
        %dma_wait3A_48 = tpu.memref_squeeze %dma_wait3A_47 : memref<1x4000xi32, #tpu.memory_space<hbm>> -> memref<4000xi32, #tpu.memory_space<hbm>>
        %dma_wait3A_49 = tpu.memref_slice %arg3[%run_scoped3A_28, %add3A_27] : memref<2x6400000xi32, #tpu.memory_space<hbm>> -> memref<1x4000xi32, #tpu.memory_space<hbm>>
        %dma_wait3A_50 = tpu.memref_squeeze %dma_wait3A_49 : memref<1x4000xi32, #tpu.memory_space<hbm>> -> memref<4000xi32, #tpu.memory_space<hbm>>
        tpu.wait_dma2 semaphore(%run_scoped3A_42 : memref<!tpu.dma_semaphore, #tpu.memory_space<semaphore_mem>>) src(%dma_wait3A_50 : memref<4000xi32, #tpu.memory_space<hbm>>) dst(%arg11 : memref<4000xi32, #tpu.memory_space<vmem>>)
        tpu.yield
      }) : () -> ()
      %dma_wait3A = arith.constant 0 : i32
      %dma_wait3A_29 = tpu.memref_slice %arg5[%dma_wait3A] : memref<100096xf32, #tpu.memory_space<vmem_shared>> -> memref<100096xf32, #tpu.memory_space<vmem_shared>>
      tpu.wait_indirect_dma semaphore(%arg14 : memref<!tpu.dma_semaphore, #tpu.memory_space<semaphore_mem>>) src(%dma_wait3A_29 : memref<100096xf32, #tpu.memory_space<vmem_shared>>) dst(%arg12 : memref<4000xf32, #tpu.memory_space<vmem>>)
      %dma_start3A_30 = arith.constant 0 : i32
      %dma_start3A_31 = tpu.memref_slice %arg6[%dma_start3A_30] : memref<100096xf32, #tpu.memory_space<vmem_shared>> -> memref<100096xf32, #tpu.memory_space<vmem_shared>>
      tpu.enqueue_indirect_dma source(%arg12 : memref<4000xf32, #tpu.memory_space<vmem>>) target(%dma_start3A_31 : memref<100096xf32, #tpu.memory_space<vmem_shared>>) offsets(%arg9 : memref<4000xi32, #tpu.memory_space<vmem>>) semaphore(%arg15 : memref<!tpu.dma_semaphore, #tpu.memory_space<semaphore_mem>>) {add = true}
      %dma_start3A_32 = arith.constant 0 : i32
      %dma_start3A_33 = tpu.memref_slice %arg5[%dma_start3A_32] : memref<100096xf32, #tpu.memory_space<vmem_shared>> -> memref<100096xf32, #tpu.memory_space<vmem_shared>>
      tpu.enqueue_indirect_dma source(%dma_start3A_33 : memref<100096xf32, #tpu.memory_space<vmem_shared>>) target(%arg13 : memref<4000xf32, #tpu.memory_space<vmem>>) offsets(%arg10 : memref<4000xi32, #tpu.memory_space<vmem>>) semaphore(%arg14 : memref<!tpu.dma_semaphore, #tpu.memory_space<semaphore_mem>>)
      %dma_wait3A_34 = arith.constant 0 : i32
      %dma_wait3A_35 = tpu.memref_slice %arg5[%dma_wait3A_34] : memref<100096xf32, #tpu.memory_space<vmem_shared>> -> memref<100096xf32, #tpu.memory_space<vmem_shared>>
      tpu.wait_indirect_dma semaphore(%arg14 : memref<!tpu.dma_semaphore, #tpu.memory_space<semaphore_mem>>) src(%dma_wait3A_35 : memref<100096xf32, #tpu.memory_space<vmem_shared>>) dst(%arg13 : memref<4000xf32, #tpu.memory_space<vmem>>)
      %dma_start3A_36 = arith.constant 0 : i32
      %dma_start3A_37 = tpu.memref_slice %arg6[%dma_start3A_36] : memref<100096xf32, #tpu.memory_space<vmem_shared>> -> memref<100096xf32, #tpu.memory_space<vmem_shared>>
      tpu.enqueue_indirect_dma source(%arg13 : memref<4000xf32, #tpu.memory_space<vmem>>) target(%dma_start3A_37 : memref<100096xf32, #tpu.memory_space<vmem_shared>>) offsets(%arg11 : memref<4000xi32, #tpu.memory_space<vmem>>) semaphore(%arg16 : memref<!tpu.dma_semaphore, #tpu.memory_space<semaphore_mem>>) {add = true}
      %dma_wait3A_38 = arith.constant 0 : i32
      %dma_wait3A_39 = tpu.memref_slice %arg6[%dma_wait3A_38] : memref<100096xf32, #tpu.memory_space<vmem_shared>> -> memref<100096xf32, #tpu.memory_space<vmem_shared>>
      tpu.wait_indirect_dma semaphore(%arg15 : memref<!tpu.dma_semaphore, #tpu.memory_space<semaphore_mem>>) src(%arg12 : memref<4000xf32, #tpu.memory_space<vmem>>) dst(%dma_wait3A_39 : memref<100096xf32, #tpu.memory_space<vmem_shared>>)
      %dma_wait3A_40 = arith.constant 0 : i32
      %dma_wait3A_41 = tpu.memref_slice %arg6[%dma_wait3A_40] : memref<100096xf32, #tpu.memory_space<vmem_shared>> -> memref<100096xf32, #tpu.memory_space<vmem_shared>>
      tpu.wait_indirect_dma semaphore(%arg16 : memref<!tpu.dma_semaphore, #tpu.memory_space<semaphore_mem>>) src(%arg13 : memref<4000xf32, #tpu.memory_space<vmem>>) dst(%dma_wait3A_41 : memref<100096xf32, #tpu.memory_space<vmem_shared>>)
    }
    %scan3A_8 = arith.constant 25 : i32
    %barrier3A_9 = arith.constant 0 : index
    tpu.barrier barrier_id(%barrier3A_9)
    "tpu.region"() ({
      %run_scoped3A = tpu.sem_alloc : memref<!tpu.dma_semaphore, #tpu.memory_space<semaphore_mem>>
      %dma_start3A = tpu.memref_slice %arg6[%mul3A_2] : memref<100096xf32, #tpu.memory_space<vmem_shared>> -> memref<6256xf32, #tpu.memory_space<vmem_shared>>
      %dma_start3A_13 = tpu.memref_slice %arg6[%mul3A_2] : memref<100096xf32, #tpu.memory_space<vmem_shared>> -> memref<6256xf32, #tpu.memory_space<vmem_shared>>
      tpu.enqueue_dma source(%dma_start3A_13 : memref<6256xf32, #tpu.memory_space<vmem_shared>>) target(%arg7 : memref<6256xf32, #tpu.memory_space<vmem>>) target_semaphore(%run_scoped3A : memref<!tpu.dma_semaphore, #tpu.memory_space<semaphore_mem>>)
      %dma_wait3A = tpu.memref_slice %arg6[%mul3A_2] : memref<100096xf32, #tpu.memory_space<vmem_shared>> -> memref<6256xf32, #tpu.memory_space<vmem_shared>>
      %dma_wait3A_14 = tpu.memref_slice %arg6[%mul3A_2] : memref<100096xf32, #tpu.memory_space<vmem_shared>> -> memref<6256xf32, #tpu.memory_space<vmem_shared>>
      tpu.wait_dma2 semaphore(%run_scoped3A : memref<!tpu.dma_semaphore, #tpu.memory_space<semaphore_mem>>) src(%dma_wait3A_14 : memref<6256xf32, #tpu.memory_space<vmem_shared>>) dst(%arg7 : memref<6256xf32, #tpu.memory_space<vmem>>)
      tpu.yield
    }) : () -> ()
    %mul3A_10 = arith.constant 100096 : i32
    %mul3A_11 = arith.muli %arg0, %mul3A_10 : i32
    %add3A_12 = arith.addi %mul3A_11, %mul3A_2 : i32
    "tpu.region"() ({
      %run_scoped3A = tpu.sem_alloc : memref<!tpu.dma_semaphore, #tpu.memory_space<semaphore_mem>>
      %dma_start3A = tpu.memref_slice %arg4[%add3A_12] : memref<200192xf32, #tpu.memory_space<hbm>> -> memref<6256xf32, #tpu.memory_space<hbm>>
      %dma_start3A_13 = tpu.memref_slice %arg4[%add3A_12] : memref<200192xf32, #tpu.memory_space<hbm>> -> memref<6256xf32, #tpu.memory_space<hbm>>
      tpu.enqueue_dma source(%arg7 : memref<6256xf32, #tpu.memory_space<vmem>>) target(%dma_start3A_13 : memref<6256xf32, #tpu.memory_space<hbm>>) target_semaphore(%run_scoped3A : memref<!tpu.dma_semaphore, #tpu.memory_space<semaphore_mem>>)
      %dma_wait3A = tpu.memref_slice %arg4[%add3A_12] : memref<200192xf32, #tpu.memory_space<hbm>> -> memref<6256xf32, #tpu.memory_space<hbm>>
      %dma_wait3A_14 = tpu.memref_slice %arg4[%add3A_12] : memref<200192xf32, #tpu.memory_space<hbm>> -> memref<6256xf32, #tpu.memory_space<hbm>>
      tpu.wait_dma2 semaphore(%run_scoped3A : memref<!tpu.dma_semaphore, #tpu.memory_space<semaphore_mem>>) src(%arg7 : memref<6256xf32, #tpu.memory_space<vmem>>) dst(%dma_wait3A_14 : memref<6256xf32, #tpu.memory_space<hbm>>)
      tpu.yield
    }) : () -> ()
    return
  }
}

module attributes {stable_mosaic.version = 14 : i64} {
  func.func @body(%arg0: memref<2x100096xf32, #tpu.memory_space<vmem>>, %arg1: memref<2x100096xf32, #tpu.memory_space<vmem>>, %arg2: memref<2x100096xf32, #tpu.memory_space<vmem>>, %arg3: memref<1x100096xf32, #tpu.memory_space<vmem>>) attributes {dimension_semantics = [], scalar_prefetch = 0 : i64, scratch_operands = 0 : i64, tpu.core_type = #tpu.core_type<tc>} {
    %get3A = arith.constant 0 : index
    %get3A_0 = arith.constant 0 : index
    %get3A_1 = vector.load %arg0[%get3A, %get3A_0] : memref<2x100096xf32, #tpu.memory_space<vmem>>, vector<1x100096xf32>
    %get3A_2 = arith.constant 1 : index
    %get3A_3 = arith.constant 0 : index
    %get3A_4 = vector.load %arg0[%get3A_2, %get3A_3] : memref<2x100096xf32, #tpu.memory_space<vmem>>, vector<1x100096xf32>
    %add3A = arith.addf %get3A_1, %get3A_4 : vector<1x100096xf32>
    %sub3A = arith.constant 1.000000e+00 : f32
    %sub3A_5 = vector.broadcast %sub3A : f32 to vector<1x100096xf32>
    %sub3A_6 = arith.subf %add3A, %sub3A_5 : vector<1x100096xf32>
    %rsqrt3A = math.rsqrt %sub3A_6 : vector<1x100096xf32>
    %swap3A = arith.constant 0 : index
    %swap3A_7 = arith.constant 0 : index
    %swap3A_8 = vector.load %arg3[%swap3A, %swap3A_7] : memref<1x100096xf32, #tpu.memory_space<vmem>>, vector<1x100096xf32>
    tpu.vector_store %arg3[%swap3A, %swap3A_7], %rsqrt3A {strides = array<i32>} : memref<1x100096xf32, #tpu.memory_space<vmem>>, vector<1x100096xf32>,
    %get3A_9 = arith.constant 0 : index
    %get3A_10 = arith.constant 0 : index
    %get3A_11 = vector.load %arg1[%get3A_9, %get3A_10] : memref<2x100096xf32, #tpu.memory_space<vmem>>, vector<2x100096xf32>
    %mul3A = vector.broadcast %rsqrt3A : vector<1x100096xf32> to vector<2x100096xf32>
    %mul3A_12 = arith.mulf %get3A_11, %mul3A : vector<2x100096xf32>
    %swap3A_13 = arith.constant 0 : index
    %swap3A_14 = arith.constant 0 : index
    %swap3A_15 = vector.load %arg2[%swap3A_13, %swap3A_14] : memref<2x100096xf32, #tpu.memory_space<vmem>>, vector<2x100096xf32>
    tpu.vector_store %arg2[%swap3A_13, %swap3A_14], %mul3A_12 {strides = array<i32>} : memref<2x100096xf32, #tpu.memory_space<vmem>>, vector<2x100096xf32>,
    return
  }
}

module attributes {stable_mosaic.version = 14 : i64} {
  func.func @body(%arg0: memref<4x100096xf32, #tpu.memory_space<vmem>>, %arg1: memref<2x100096xf32, #tpu.memory_space<vmem>>, %arg2: memref<1x100096xf32, #tpu.memory_space<vmem>>, %arg3: memref<2x2xf32, #tpu.memory_space<smem>>, %arg4: memref<2xf32, #tpu.memory_space<smem>>, %arg5: memref<2x1xf32, #tpu.memory_space<smem>>, %arg6: memref<1x100096xf32, #tpu.memory_space<vmem>>) attributes {dimension_semantics = [], scalar_prefetch = 0 : i64, scratch_operands = 0 : i64, tpu.core_type = #tpu.core_type<tc>} {
    %get3A = arith.constant 0 : index
    %get3A_0 = arith.constant 0 : index
    %get3A_1 = vector.load %arg0[%get3A, %get3A_0] : memref<4x100096xf32, #tpu.memory_space<vmem>>, vector<4x100096xf32>
    %get3A_2 = arith.constant 0 : index
    %get3A_3 = arith.constant 0 : index
    %get3A_4 = vector.load %arg1[%get3A_2, %get3A_3] : memref<2x100096xf32, #tpu.memory_space<vmem>>, vector<2x100096xf32>
    %get3A_5 = arith.constant 0 : index
    %get3A_6 = arith.constant 0 : index
    %get3A_7 = vector.load %arg2[%get3A_5, %get3A_6] : memref<1x100096xf32, #tpu.memory_space<vmem>>, vector<1x100096xf32>
    %slice3A = vector.extract_strided_slice %get3A_1 {offsets = [0, 0], sizes = [1, 100096], strides = [1, 1]} : vector<4x100096xf32> to vector<1x100096xf32>
    %slice3A_8 = vector.extract_strided_slice %get3A_1 {offsets = [1, 0], sizes = [1, 100096], strides = [1, 1]} : vector<4x100096xf32> to vector<1x100096xf32>
    %add3A = arith.addf %slice3A, %slice3A_8 : vector<1x100096xf32>
    %slice3A_9 = vector.extract_strided_slice %get3A_4 {offsets = [0, 0], sizes = [1, 100096], strides = [1, 1]} : vector<2x100096xf32> to vector<1x100096xf32>
    %sub3A = arith.subf %add3A, %slice3A_9 : vector<1x100096xf32>
    %mul3A = arith.mulf %sub3A, %get3A_7 : vector<1x100096xf32>
    %slice3A_10 = vector.extract_strided_slice %get3A_1 {offsets = [2, 0], sizes = [1, 100096], strides = [1, 1]} : vector<4x100096xf32> to vector<1x100096xf32>
    %slice3A_11 = vector.extract_strided_slice %get3A_1 {offsets = [3, 0], sizes = [1, 100096], strides = [1, 1]} : vector<4x100096xf32> to vector<1x100096xf32>
    %add3A_12 = arith.addf %slice3A_10, %slice3A_11 : vector<1x100096xf32>
    %slice3A_13 = vector.extract_strided_slice %get3A_4 {offsets = [1, 0], sizes = [1, 100096], strides = [1, 1]} : vector<2x100096xf32> to vector<1x100096xf32>
    %sub3A_14 = arith.subf %add3A_12, %slice3A_13 : vector<1x100096xf32>
    %mul3A_15 = arith.mulf %sub3A_14, %get3A_7 : vector<1x100096xf32>
    %get3A_16 = arith.constant 0 : index
    %get3A_17 = arith.constant 0 : index
    %get3A_18 = memref.load %arg3[%get3A_16, %get3A_17] : memref<2x2xf32, #tpu.memory_space<smem>>
    %mul3A_19 = vector.broadcast %get3A_18 : f32 to vector<1x100096xf32>
    %mul3A_20 = arith.mulf %mul3A, %mul3A_19 : vector<1x100096xf32>
    %get3A_21 = arith.constant 1 : index
    %get3A_22 = arith.constant 0 : index
    %get3A_23 = memref.load %arg3[%get3A_21, %get3A_22] : memref<2x2xf32, #tpu.memory_space<smem>>
    %mul3A_24 = vector.broadcast %get3A_23 : f32 to vector<1x100096xf32>
    %mul3A_25 = arith.mulf %mul3A_15, %mul3A_24 : vector<1x100096xf32>
    %add3A_26 = arith.addf %mul3A_20, %mul3A_25 : vector<1x100096xf32>
    %get3A_27 = arith.constant 0 : index
    %get3A_28 = memref.load %arg4[%get3A_27] : memref<2xf32, #tpu.memory_space<smem>>
    %add3A_29 = vector.broadcast %get3A_28 : f32 to vector<1x100096xf32>
    %add3A_30 = arith.addf %add3A_26, %add3A_29 : vector<1x100096xf32>
    %max3A = arith.constant 0.000000e+00 : f32
    %max3A_31 = vector.broadcast %max3A : f32 to vector<1x100096xf32>
    %max3A_32 = arith.maximumf %add3A_30, %max3A_31 : vector<1x100096xf32>
    %get3A_33 = arith.constant 0 : index
    %get3A_34 = arith.constant 1 : index
    %get3A_35 = memref.load %arg3[%get3A_33, %get3A_34] : memref<2x2xf32, #tpu.memory_space<smem>>
    %mul3A_36 = vector.broadcast %get3A_35 : f32 to vector<1x100096xf32>
    %mul3A_37 = arith.mulf %mul3A, %mul3A_36 : vector<1x100096xf32>
    %get3A_38 = arith.constant 1 : index
    %get3A_39 = arith.constant 1 : index
    %get3A_40 = memref.load %arg3[%get3A_38, %get3A_39] : memref<2x2xf32, #tpu.memory_space<smem>>
    %mul3A_41 = vector.broadcast %get3A_40 : f32 to vector<1x100096xf32>
    %mul3A_42 = arith.mulf %mul3A_15, %mul3A_41 : vector<1x100096xf32>
    %add3A_43 = arith.addf %mul3A_37, %mul3A_42 : vector<1x100096xf32>
    %get3A_44 = arith.constant 1 : index
    %get3A_45 = memref.load %arg4[%get3A_44] : memref<2xf32, #tpu.memory_space<smem>>
    %add3A_46 = vector.broadcast %get3A_45 : f32 to vector<1x100096xf32>
    %add3A_47 = arith.addf %add3A_43, %add3A_46 : vector<1x100096xf32>
    %max3A_48 = arith.constant 0.000000e+00 : f32
    %max3A_49 = vector.broadcast %max3A_48 : f32 to vector<1x100096xf32>
    %max3A_50 = arith.maximumf %add3A_47, %max3A_49 : vector<1x100096xf32>
    %get3A_51 = arith.constant 0 : index
    %get3A_52 = arith.constant 0 : index
    %get3A_53 = memref.load %arg5[%get3A_51, %get3A_52] : memref<2x1xf32, #tpu.memory_space<smem>>
    %mul3A_54 = vector.broadcast %get3A_53 : f32 to vector<1x100096xf32>
    %mul3A_55 = arith.mulf %max3A_32, %mul3A_54 : vector<1x100096xf32>
    %get3A_56 = arith.constant 1 : index
    %get3A_57 = arith.constant 0 : index
    %get3A_58 = memref.load %arg5[%get3A_56, %get3A_57] : memref<2x1xf32, #tpu.memory_space<smem>>
    %mul3A_59 = vector.broadcast %get3A_58 : f32 to vector<1x100096xf32>
    %mul3A_60 = arith.mulf %max3A_50, %mul3A_59 : vector<1x100096xf32>
    %add3A_61 = arith.addf %mul3A_55, %mul3A_60 : vector<1x100096xf32>
    %mul3A_62 = arith.mulf %add3A_61, %get3A_7 : vector<1x100096xf32>
    %swap3A = arith.constant 0 : index
    %swap3A_63 = arith.constant 0 : index
    %swap3A_64 = vector.load %arg6[%swap3A, %swap3A_63] : memref<1x100096xf32, #tpu.memory_space<vmem>>, vector<1x100096xf32>
    tpu.vector_store %arg6[%swap3A, %swap3A_63], %mul3A_62 {strides = array<i32>} : memref<1x100096xf32, #tpu.memory_space<vmem>>, vector<1x100096xf32>,
    return
  }
}

module attributes {stable_mosaic.version = 14 : i64} {
  func.func @body(%arg0: memref<2x100096xf32, #tpu.memory_space<vmem>>, %arg1: memref<1x100096xf32, #tpu.memory_space<vmem>>, %arg2: memref<1x100096xf32, #tpu.memory_space<vmem>>, %arg3: memref<1xf32, #tpu.memory_space<smem>>, %arg4: memref<1x100096xf32, #tpu.memory_space<vmem>>) attributes {dimension_semantics = [], scalar_prefetch = 0 : i64, scratch_operands = 0 : i64, tpu.core_type = #tpu.core_type<tc>} {
    %get3A = arith.constant 0 : index
    %get3A_0 = arith.constant 0 : index
    %get3A_1 = vector.load %arg0[%get3A, %get3A_0] : memref<2x100096xf32, #tpu.memory_space<vmem>>, vector<2x100096xf32>
    %slice3A = vector.extract_strided_slice %get3A_1 {offsets = [0, 0], sizes = [1, 100096], strides = [1, 1]} : vector<2x100096xf32> to vector<1x100096xf32>
    %slice3A_2 = vector.extract_strided_slice %get3A_1 {offsets = [1, 0], sizes = [1, 100096], strides = [1, 1]} : vector<2x100096xf32> to vector<1x100096xf32>
    %add3A = arith.addf %slice3A, %slice3A_2 : vector<1x100096xf32>
    %get3A_3 = arith.constant 0 : index
    %get3A_4 = arith.constant 0 : index
    %get3A_5 = vector.load %arg1[%get3A_3, %get3A_4] : memref<1x100096xf32, #tpu.memory_space<vmem>>, vector<1x100096xf32>
    %sub3A = arith.subf %add3A, %get3A_5 : vector<1x100096xf32>
    %get3A_6 = arith.constant 0 : index
    %get3A_7 = arith.constant 0 : index
    %get3A_8 = vector.load %arg2[%get3A_6, %get3A_7] : memref<1x100096xf32, #tpu.memory_space<vmem>>, vector<1x100096xf32>
    %mul3A = arith.mulf %sub3A, %get3A_8 : vector<1x100096xf32>
    %get3A_9 = arith.constant 0 : index
    %get3A_10 = memref.load %arg3[%get3A_9] : memref<1xf32, #tpu.memory_space<smem>>
    %add3A_11 = vector.broadcast %get3A_10 : f32 to vector<1x100096xf32>
    %add3A_12 = arith.addf %mul3A, %add3A_11 : vector<1x100096xf32>
    %swap3A = arith.constant 0 : index
    %swap3A_13 = arith.constant 0 : index
    %swap3A_14 = vector.load %arg4[%swap3A, %swap3A_13] : memref<1x100096xf32, #tpu.memory_space<vmem>>, vector<1x100096xf32>
    tpu.vector_store %arg4[%swap3A, %swap3A_13], %add3A_12 {strides = array<i32>} : memref<1x100096xf32, #tpu.memory_space<vmem>>, vector<1x100096xf32>,
    return
  }
}

</mosaic_0001>

<sc_bundles>
// kernel: kernel.11.cloned.1.call-start
scs
__scs_entry_jumppad:
0x0: {  	(pc) =	sbr.rel $0x88, $3  }
0x1: {  	(tag) =	ssettag $0x0;
	lr =	simm.s32 $0x1  }
0x2: {  	[smem:$0x3F9B] =	sst lr;
	_ =	strace $0xD0000000  }
0x3: {  	_ = 	snop  }
0x4: {  	_ = 	snop  }
0x5: {  	_ = 	snop  }
0x6: {  	_ = 	snop  }
0x7: {  	_ = 	snop  }
__scs_overlays_trampoline_lowered:
0x8: {  	[smem:$0x3FAA] =	sst s0  }
0x9: {  	[smem:$0x3FAB] =	sst s1  }
0xa: {  	[smem:$0x3FAC] =	sst s2  }
0xb: {  	[smem:$0x3FAD] =	sst s3  }
0xc: {  	[smem:$0x3FAE] =	sst s4  }
0xd: {  	[smem:$0x3FAF] =	sst s5  }
0xe: {  	[smem:$0x3FB0] =	sst s6  }
0xf: {  	[smem:$0x3FB1] =	sst s7  }
0x10: {  	[smem:$0x3FB2] =	sst s8  }
0x11: {  	[smem:$0x3FB3] =	sst s9;
	s0 =	simm.s32 @!p0 $0x0  }
0x12: {  	s1 =	sld [smem:$0x3F99];
	s0 =	simm.s32 @p0 $0x1  }
0x13: {  	[smem:$0x3FB4] =	sst s0;
	s0 =	simm.s32 @!p1 $0x0  }
0x14: {  	s2 =	sld [smem:$0x3F98];
	s0 =	simm.s32 @p1 $0x1  }
0x15: {  	[smem:$0x3FB5] =	sst s0;
	s0 =	simm.s32 @!p2 $0x0  }
0x16: {  	s3 =	sld [smem:$0x3FDB];
	s0 =	simm.s32 @p2 $0x1  }
0x17: {  	s4 =	simm.s32 $0x1BF5;
	[smem:$0x3FB7] =	sst s0  }
0x18: {  	s0 =	sld [smem:$0x3F9A];
	_ =	swait.ge [sflag:s4], $0x0  }
0x19: {  	s7 =	sld [smem:$0x3F9B]  }
0x1a: {  	s8 =	sadd.s32 $0xFFFFE003, lr  }
0x1b: {  	s9 =	sadd.s32 $0xFFFFFEF7, lr;
	s5 =	simm.s32 $0xFFFFFFFF;
	p2 =	slt.u32 s8, $0xFFFFF086  }
0x1c: {  	p1 =	slt.u32 s9, $0xF7A;
	s5 =	simm.s32 @!p2 $0x0  }
0x1d: {  	s5 =	simm.s32 @p1 $0x1;
	p0 =	seq.s32 s7, s2  }
0x1e: {  	s7 =	smul.u32 @!p0 $0xF7A, s2;
	p2 =	seq.s32 @!p0 s5, $0x0  }
0x1f: {  	s9 =	smul.u32 $0xF7A, s1;
	s8 =	simm.s32 @!p0 $0x1BF5;
	p2 =	por !p2, p0  }
0x20: {  	[sflag:s8] =	ssyncset.s32 @!p0 $0xFFFFF086;
	s6 =	sadd.s32 @!p0 s3, s7;
	s7 =	simm.s32 @!p0 $0x108  }
0x21: {  	s3 =	sadd.s32 s3, s9;
	s6 =	sadd.s32 @!p0 $0x88, s6;
	s7 =	simm.s32 @p2 $0x1082  }
0x22: {  	[simem:s7], [sflag:s8] =	dma.local @!p0 [hbm:s6], $0xF7A  }
0x23: {  	s9 =	sor.u32 $0xD0000000, s2;
	s6 =	simm.s32 $0x108;
	_ =	swait.ge @!p0 [sflag:s8], $0x0  }
0x24: {  	s3 =	sadd.s32 $0x88, s3;
	s6 =	simm.s32 @!p1 $0x1082;
	[sflag:s4] =	ssyncset.s32 $0xFFFFF086  }
0x25: {  	[simem:s6], [sflag:s4] =	dma.local [hbm:s3], $0xF7A  }
0x26: {  	[smem:$0x3F9B] =	sst s1;
	(tag) =	ssettag s2;
	_ =	strace s9  }
0x27: {  	s1 =	sld [smem:$0x3FAB]  }
0x28: {  	s2 =	sld [smem:$0x3FAC]  }
0x29: {  	s4 =	sld [smem:$0x3FAE]  }
0x2a: {  	p0 =	seq.s32 s5, $0x0;
	s5 =	sld [smem:$0x3FAF]  }
0x2b: {  	s6 =	sld [smem:$0x3FB0]  }
0x2c: {  	s7 =	sld [smem:$0x3FB1]  }
0x2d: {  	s3 =	simm.s32 $0x108;
	s8 =	sld [smem:$0x3FB2]  }
0x2e: {  	s3 =	simm.s32 @!p0 $0x1082;
	s9 =	sld [smem:$0x3FB3]  }
0x2f: {  	lr =	sadd.s32 s0, s3;
	s0 =	sld [smem:$0x3FAA]  }
0x30: {  	s3 =	sld [smem:$0x3FAD]  }
0x31: {  	[smem:$0x3FB6] =	sst s10  }
0x32: {  	s10 =	sld [smem:$0x3FB4];
	_ =	sdelay $0x3  }
0x33: {  	p0 =	seq.s32 s10, $0x1;
	s10 =	sld [smem:$0x3FB6];
	_ =	sdelay $0x3  }
0x34: {  	[smem:$0x3FB6] =	sst s10  }
0x35: {  	s10 =	sld [smem:$0x3FB5];
	_ =	sdelay $0x3  }
0x36: {  	p1 =	seq.s32 s10, $0x1;
	s10 =	sld [smem:$0x3FB6];
	_ =	sdelay $0x3  }
0x37: {  	[smem:$0x3FB6] =	sst s10  }
0x38: {  	s10 =	sld [smem:$0x3FB7]  }
0x39: {  	_ = 	snop;
	(pc) =	sbr.ind lr, $3  }
0x3a: {  	_ = 	snop  }
0x3b: {  	_ = 	snop  }
0x3c: {  	p2 =	seq.s32 s10, $0x1;
	s10 =	sld [smem:$0x3FB6]  }
0x3d: {  	_ =	shalt  }
0x3e: {  	_ =	shalt  }
0x3f: {  	_ =	shalt  }
0x40: {  	_ =	shalt  }
0x41: {  	_ =	shalt  }
0x42: {  	_ =	shalt  }
0x43: {  	_ =	shalt  }
0x44: {  	_ =	shalt  }
0x45: {  	_ =	shalt  }
0x46: {  	_ =	shalt  }
0x47: {  	_ =	shalt  }
0x48: {  	_ =	shalt  }
0x49: {  	_ =	shalt  }
0x4a: {  	_ =	shalt  }
0x4b: {  	_ =	shalt  }
0x4c: {  	_ =	shalt  }
0x4d: {  	_ =	shalt  }
0x4e: {  	_ =	shalt  }
0x4f: {  	_ =	shalt  }
0x50: {  	_ =	shalt  }
0x51: {  	_ =	shalt  }
0x52: {  	_ =	shalt  }
0x53: {  	_ =	shalt  }
0x54: {  	_ =	shalt  }
0x55: {  	_ =	shalt  }
0x56: {  	_ =	shalt  }
0x57: {  	_ =	shalt  }
0x58: {  	_ =	shalt  }
0x59: {  	_ =	shalt  }
0x5a: {  	_ =	shalt  }
0x5b: {  	_ =	shalt  }
0x5c: {  	_ =	shalt  }
0x5d: {  	_ =	shalt  }
0x5e: {  	_ =	shalt  }
0x5f: {  	_ =	shalt  }
0x60: {  	_ =	shalt  }
0x61: {  	_ =	shalt  }
0x62: {  	_ =	shalt  }
0x63: {  	_ =	shalt  }
0x64: {  	_ =	shalt  }
0x65: {  	_ =	shalt  }
0x66: {  	_ =	shalt  }
0x67: {  	_ =	shalt  }
0x68: {  	_ =	shalt  }
0x69: {  	_ =	shalt  }
0x6a: {  	_ =	shalt  }
0x6b: {  	_ =	shalt  }
0x6c: {  	_ =	shalt  }
0x6d: {  	_ =	shalt  }
0x6e: {  	_ =	shalt  }
0x6f: {  	_ =	shalt  }
0x70: {  	_ =	shalt  }
0x71: {  	_ =	shalt  }
0x72: {  	_ =	shalt  }
0x73: {  	_ =	shalt  }
0x74: {  	_ =	shalt  }
0x75: {  	_ =	shalt  }
0x76: {  	_ =	shalt  }
0x77: {  	_ =	shalt  }
0x78: {  	_ =	shalt  }
0x79: {  	_ =	shalt  }
0x7a: {  	_ =	shalt  }
0x7b: {  	_ =	shalt  }
0x7c: {  	_ =	shalt  }
0x7d: {  	_ =	shalt  }
0x7e: {  	_ =	shalt  }
0x7f: {  	_ =	shalt  }
0x80: {  	_ =	shalt  }
0x81: {  	_ =	shalt  }
0x82: {  	_ =	shalt  }
0x83: {  	_ =	shalt  }
0x84: {  	_ =	shalt  }
0x85: {  	_ =	shalt  }
0x86: {  	_ =	shalt  }
0x87: {  	_ =	shalt  }
.Lfunc_end0:
.L_simem_size_0:
called_computation.2_lowered:
.L_overlay_start_0:
0x88: {  	s2 =	sld [smem:$0x3FD9]  }
0x89: {  	s3 =	sld [smem:$0x3FFE];
	_ =	sdelay $0x1  }
0x8a: {  	s1 =	srdreg.scid  }
0x8b: {  	s0 =	sand.u32 $0x1, s1  }
0x8c: {  	s16 =	sshll.u32 s0, $0xA;
	s2 =	sadd.s32 s3, s2  }
0x8d: {  	s2 =	sadd.s32 s2, s16  }
0x8e: {  	[smem:$0x3FC2] =	sst s2  }
0x8f: {  	_ = 	snop  }
0x90: {  	(tm) =	ssettm $0x1  }
0x91: {  	s17 =	sld [smem:$0x3FFB];
	_ =	sdelay $0x3  }
0x92: {  	_ =	strace s17  }
0x93: {  	s2 =	sld [smem:$0x3FFC];
	_ =	sdelay $0x3  }
0x94: {  	_ =	strace s2  }
0x95: {  	s2 =	sld [smem:$0x3FFD];
	_ =	sdelay $0x3  }
0x96: {  	_ =	strace s2  }
0x97: {  	_ =	strace $0x8FFFFFFF  }
0x98: {  	s18 =	sld [smem:$0x3FDB];
	_ =	sdelay $0x1  }
0x99: {  	s19 =	simm.s32 $_scs_section_size  }
0x9a: {  	s4 =	simm.s32 $_size__tile_overlayer_lowered;
	s5 =	simm.s32 $_tile_overlayer_lowered  }
0x9b: {  	s22 =	simm.s32 $0x1BFF;
	s21 =	sshll.u32 s5, $0x1;
	s2 =	sadd.s32 s19, s18  }
0x9c: {  	s6 =	simm.s32 $0x0;
	s20 =	sshll.u32 s4, $0x1;
	s4 =	sadd.s32 s21, s2  }
0x9d: {  	[timem:s6], [sflag:s22] =	dma.local [hbm:s4], s20  }
0x9e: {  	_ =	swait.ge [sflag:s22], s20  }
0x9f: {  	s3 =	ssub.s32 $0x0, s20;
	[sflag:s22] =	ssyncset.done $0x0  }
0xa0: {  	[sflag:s22] =	ssyncadd.s32 s3;
	_ =	sdelay $0x1  }
0xa1: {  	s23 =	simm.s32 $0x1B8B  }
0xa2: {  	_ =	swait.ge [sflag:s23], $0x1  }
0xa3: {  	[sflag:s23] =	ssyncset.done $0x0  }
0xa4: {  	s25 =	simm.s32 $0x1B8E;
	s24 =	sld [smem:$0x3FFE];
	[sflag:s23] =	ssyncadd.s32 $0xFFFFFFFF  }
0xa5: {  	s26 =	simm.s32 $execute0_lowered;
	[smem:$0x3FD2] =	sst s25  }
0xa6: {  	s4 =	sshll.u32 s26, $0x1;
	_ =	strace $0x8000004C;
	[dreg:$0x1] =	wrdreg $0xFFFFFFFF  }
0xa7: {  	s28 =	simm.s32 $_size_execute0_lowered;
	s2 =	sadd.s32 s2, s4;
	[dreg:$0x0] =	wrdreg $0x0  }
0xa8: {  	s4 =	sshll.u32 s28, $0x1;
	[dreg:$0x2] =	wrdreg s2  }
0xa9: {  	[dreg:$0x3] =	wrdreg s4  }
0xaa: {  	[dreg:$0x4] =	wrdreg $0xC0  }
0xab: {  	_ =	task [dreg:s6], $0x5FFFF  }
0xac: {  	[dreg:$0x1] =	wrdreg $0xFFFFFFFF  }
0xad: {  	[dreg:$0x0] =	wrdreg $0x60  }
0xae: {  	[dreg:$0x2] =	wrdreg s24  }
0xaf: {  	[dreg:$0x3] =	wrdreg $0x0  }
0xb0: {  	[dreg:$0x4] =	wrdreg $0x30E00  }
0xb1: {  	[dreg:$0x5] =	wrdreg $0x18700  }
0xb2: {  	[dreg:$0x6] =	wrdreg $0x49500  }
0xb3: {  	[dreg:$0x7] =	wrdreg $0x9  }
0xb4: {  	_ =	task.clear_ibuf [dreg:s6], $0x8FFFF;
	_ =	strace $0x9000004C  }
0xb5: {  	s29 =	simm.s32 $0x9;
	_ =	strace $0x8000004E  }
0xb6: {  	_ =	swait.ge [sflag:s29], $0x1  }
0xb7: {  	[sflag:s29] =	ssyncadd.s32 $0xFFFFFFFF  }
0xb8: {  	_ =	strace $0x9000004E  }
0xb9: {  	_ =	sfence  }
0xba: {  	s30 =	sld [smem:$0x0];
	_ =	sdelay $0x2  }
0xbb: {  	s31 =	sshll.u32 s1, $0xD;
	s1 =	sshrl.u32 s1, $0x2  }
0xbc: {  	s3 =	sand.u32 $0x4000, s31;
	s1 =	sadd.s32 s1, s30  }
0xbd: {  	s0 =	sor.u32 s3, s0;
	s1 =	sshll.u32 s1, $0x11  }
0xbe: {  	s0 =	sor.u32 s1, s0  }
0xbf: {  	s0 =	sadd.s32 $0x8F2B, s0  }
0xc0: {  	[sflag:s0] =	ssyncadd.remote.s32 $0x1  }
0xc1: {  	_ =	sfence.sel $0xFFFF  }
0xc2: {  	[dreg:$0x0] =	wrdreg $0xFFFFFFFF;
	(pc) =	sbr.abs _section_cstart, $3  }
0xc3: {  	[dreg:$0x1] =	wrdreg $0xFFFFFFFF  }
0xc4: {  	_ =	task.clear_ibuf [dreg:s6], $0x2FFFF;
	_ =	strace $0x9FFFFFFF  }
0xc5: {  	(tm) =	ssettm $0x7FFFFFFF  }
tec
execute0_lowered:
.L_overlay_start_1:
0x0: {  	(tag) =	ssettag $0x1  }
0x1: {  	s0 =	rddreg [dreg:$0x0]  }
0x2: {  	s1 =	rddreg [dreg:$0x1]  }
0x3: {  	s3 =	rddreg [dreg:$0x2]  }
0x4: {  	s4 =	rddreg [dreg:$0x3]  }
0x5: {  	s5 =	rddreg [dreg:$0x4];
	s13 =	stileid.u32  }
0x6: {  	s7 =	srdreg.scid;
	s6 =	simm.s32 $0x0;
	s15 =	simm.s32 $0x61C0  }
0x7: {  	s28 =	simm.s32 $0x9970;
	s29 =	simm.s32 $0xA910;
	s30 =	simm.s32 $0x1  }
0x8: {  	s31 =	simm.s32 $0x2;
	s2 =	smul.u32 $0x1870, s13;
	s7 =	sand.u32 $0x1, s7  }
0x9: {  	[smem:$0x7FF] =	sst s6;
	s10 =	sadd.s32 $0x1200, s0;
	s17 =	smul.u32 $0x30D40, s13  }
0xa: {  	s13 =	simm.s32 $0x0;
	s9 =	smul.u32 $0x18700, s7;
	_ =	strace $0x8000004D  }
0xb: {  	s11 =	ssub.s32 $0x2, s7;
	s7 =	smul.u32 $0x30D400, s7;
	s8 =	sshrl.u32 s2, $0x3  }
0xc: {  	s12 =	sshrl.u32 s11, $0x1;
	s19 =	sadd.s32 s2, s1;
	s20 =	sadd.s32 s2, s4  }
0xd: {  	s14 =	sadd.s32 s2, s5;
	s8 =	sadd.s32 s8, s0;
	s9 =	sadd.s32 s2, s9  }
0xe: {  	s16 =	ssub.s32 s11, s12;
	[dreg:$0x7] =	wrdreg s19;
	s12 =	sadd.s32 s2, s3  }
0xf: {  	[dreg:$0xa] =	wrdreg s20;
	s7 =	sadd.s32 s17, s7;
	s11 =	simm.s32 $0x6  }
0x10: {  	[dreg:$0xb] =	wrdreg s14;
	s9 =	sshrl.u32 s9, $0x3;
	s18 =	sadd.s32 $0x18AE00, s8  }
0x11: {  	s8 =	sadd.s32 $0x187C00, s8;
	s22 =	sadd.s32 $0x61B7A0, s7;
	[dreg:$0x8] =	wrdreg s12  }
0x12: {  	s23 =	smax.u32 s16, $0x1;
	s25 =	sadd.s32 $0x61A800, s7;
	[dreg:$0x6] =	wrdreg s18  }
0x13: {  	s26 =	sadd.s32 $0xFA0, s7;
	s7 =	sshrl.u32 s7, $0x3;
	[dreg:$0x9] =	wrdreg s8  }
0x14: {  	s0 =	sadd.s32 s9, s0;
	[dreg:$0xe] =	wrdreg s23;
	s24 =	sshrl.u32 s22, $0x3  }
0x15: {  	s2 =	sshrl.u32 s26, $0x3;
	s17 =	sadd.s32 s7, s10;
	s22 =	simm.s32 $0x7A30  }
0x16: {  	s23 =	simm.s32 $0x89D0;
	s26 =	simm.s32 $0xC850;
	s7 =	simm.s32 $0x3  }
0x17: {  	s8 =	simm.s32 $0x4;
	s21 =	sadd.s32 $0x18E000, s0;
	s0 =	sadd.s32 $0x194200, s0  }
0x18: {  	s16 =	sadd.s32 s24, s10;
	s19 =	sadd.s32 s2, s10;
	[dreg:$0xc] =	wrdreg s21  }
0x19: {  	s24 =	simm.s32 $0xFA0;
	s2 =	simm.s32 $0xD7F0;
	[dreg:$0xd] =	wrdreg s0  }
0x1a: {  	s0 =	sshrl.u32 s25, $0x3;
	s21 =	simm.s32 $0x7;
	s25 =	simm.s32 $0xB8B0  }
0x1b: {  	s18 =	sadd.s32 s0, s10;
	s0 =	simm.s32 $0xE790;
	s10 =	simm.s32 $0x5  }
.LBB2_1:
0x1c: {  	s9 =	rddreg [dreg:$0x6]  }
0x1d: {  	[tilespmem:s15], [sflag:$0x7] =	stream.linear.gather [hbm4b:s9+s6], $0x1870, $0x38;
	[tilespmem:$0xF730] =	vst v63  }
0x1e: {  	_ =	swait.ge [sflag:s21], $0x1870  }
0x1f: {  	[sflag:s21] =	ssyncset.done $0x0  }
0x20: {  	s20 =	rddreg [dreg:$0x7];
	[sflag:s21] =	ssyncadd.s32 $0xFFFFE790  }
0x21: {  	[spmem:s20] =	stream.linear.scatter [tilespmem:s15], [sflag:$0x7], $0x1870, $0x38;
	[tilespmem:$0xF730] =	vst v63  }
0x22: {  	_ =	swait.ge [sflag:s21], $0x1870  }
0x23: {  	[sflag:s21] =	ssyncset.done $0x0  }
0x24: {  	[sflag:s21] =	ssyncadd.s32 $0xFFFFE790  }
0x25: {  	[spmem:s12] =	stream.linear.scatter [tilespmem:s15], [sflag:$0x7], $0x1870, $0x38;
	[tilespmem:$0xF730] =	vst v63  }
0x26: {  	_ =	swait.ge [sflag:s21], $0x1870  }
0x27: {  	[sflag:s21] =	ssyncset.done $0x0  }
0x28: {  	s12 =	rddreg [dreg:$0x9];
	[sflag:s21] =	ssyncadd.s32 $0xFFFFE790  }
0x29: {  	[tilespmem:s15], [sflag:$0x7] =	stream.linear.gather [hbm4b:s12+s6], $0x1870, $0x38;
	[tilespmem:$0xF730] =	vst v63  }
0x2a: {  	_ =	swait.ge [sflag:s21], $0x1870  }
0x2b: {  	[sflag:s21] =	ssyncset.done $0x0  }
0x2c: {  	s20 =	rddreg [dreg:$0xa];
	[sflag:s21] =	ssyncadd.s32 $0xFFFFE790  }
0x2d: {  	[spmem:s20] =	stream.linear.scatter [tilespmem:s15], [sflag:$0x7], $0x1870, $0x38;
	[tilespmem:$0xF730] =	vst v63  }
0x2e: {  	_ =	swait.ge [sflag:s21], $0x1870  }
0x2f: {  	[sflag:s21] =	ssyncset.done $0x0  }
0x30: {  	[sflag:s21] =	ssyncadd.s32 $0xFFFFE790  }
0x31: {  	[spmem:s14] =	stream.linear.scatter [tilespmem:s15], [sflag:$0x7], $0x1870, $0x38;
	[tilespmem:$0xF730] =	vst v63  }
0x32: {  	_ =	swait.ge [sflag:s21], $0x1870  }
0x33: {  	[sflag:s21] =	ssyncset.done $0x0  }
0x34: {  	[sflag:s21] =	ssyncadd.s32 $0xFFFFE790  }
0x35: {  	s12 =	sadd.s32 $0x0, s17;
	[bflag:$0x0] =	sbarrier.arrive $0xFFFF  }
0x36: {  	[tilespmem:s22], [sflag:$0x7] =	stream.linear.gather [hbm4b:s12+s6], $0xFA0, $0x38;
	[tilespmem:$0xF730] =	vst v63  }
0x37: {  	_ =	swait.ge [sflag:s21], $0xFA0  }
0x38: {  	[sflag:s21] =	ssyncset.done $0x0  }
0x39: {  	s14 =	sadd.s32 $0x0, s18;
	[sflag:s21] =	ssyncadd.s32 $0xFFFFF060  }
0x3a: {  	[tilespmem:s23], [sflag:$0x7] =	stream.linear.gather [hbm4b:s14+s6], $0xFA0, $0x38;
	[tilespmem:$0xF730] =	vst v63  }
0x3b: {  	_ =	swait.ge [sflag:s21], $0xFA0  }
0x3c: {  	[sflag:s21] =	ssyncset.done $0x0  }
0x3d: {  	[sflag:s21] =	ssyncadd.s32 $0xFFFFF060  }
0x3e: {  	[tilespmem:s25], [sflag:$0x1] =	stream.indirect.gather [spmem:s1], $0x1, s22, s24, $0xb8;
	[tilespmem:$0xF730] =	vst v63  }
0x3f: {  	_ = 	snop  }
0x40: {  	[tilespmem:s26], [sflag:$0x2] =	stream.indirect.gather [spmem:s4], $0x1, s22, s24, $0xb8;
	[tilespmem:$0xF730] =	vst v63  }
0x41: {  	s15 =	sadd.s32 $0x0, s19  }
0x42: {  	[tilespmem:s28], [sflag:$0x7] =	stream.linear.gather [hbm4b:s15+s6], $0xFA0, $0x38;
	[tilespmem:$0xF730] =	vst v63  }
0x43: {  	_ =	swait.ge [sflag:s21], $0xFA0  }
0x44: {  	[sflag:s21] =	ssyncset.done $0x0  }
0x45: {  	s20 =	sadd.s32 $0x0, s16;
	[sflag:s21] =	ssyncadd.s32 $0xFFFFF060  }
0x46: {  	[tilespmem:s29], [sflag:$0x7] =	stream.linear.gather [hbm4b:s20+s6], $0xFA0, $0x38;
	[tilespmem:$0xF730] =	vst v63  }
0x47: {  	_ =	swait.ge [sflag:s21], $0xFA0  }
0x48: {  	[sflag:s21] =	ssyncset.done $0x0  }
0x49: {  	[sflag:s21] =	ssyncadd.s32 $0xFFFFF060  }
0x4a: {  	_ =	swait.ge [sflag:s30], $0xFA0  }
0x4b: {  	[sflag:s30] =	ssyncset.done $0x0  }
0x4c: {  	[sflag:s30] =	ssyncadd.s32 $0xFFFFF060  }
0x4d: {  	_ =	swait.ge [sflag:s31], $0xFA0  }
0x4e: {  	[sflag:s31] =	ssyncset.done $0x0  }
0x4f: {  	[sflag:s31] =	ssyncadd.s32 $0xFFFFF060  }
0x50: {  	[spmem:s3] =	stream.indirect.scatter.add.f32 [tilespmem:s25], [sflag:$0x3], $0x1, s23, s24, $0xb8;
	[tilespmem:$0xF730] =	vst v63  }
0x51: {  	_ = 	snop  }
0x52: {  	[spmem:s5] =	stream.indirect.scatter.add.f32 [tilespmem:s26], [sflag:$0x4], $0x1, s23, s24, $0xb8;
	[tilespmem:$0xF730] =	vst v63  }
0x53: {  	_ = 	snop  }
0x54: {  	[tilespmem:s2], [sflag:$0x1] =	stream.indirect.gather [spmem:s1], $0x1, s28, s24, $0xb8;
	[tilespmem:$0xF730] =	vst v63  }
0x55: {  	_ = 	snop  }
0x56: {  	[tilespmem:s0], [sflag:$0x2] =	stream.indirect.gather [spmem:s4], $0x1, s28, s24, $0xb8;
	[tilespmem:$0xF730] =	vst v63  }
0x57: {  	_ =	swait.ge [sflag:s30], $0xFA0  }
0x58: {  	[sflag:s30] =	ssyncset.done $0x0  }
0x59: {  	[sflag:s30] =	ssyncadd.s32 $0xFFFFF060  }
0x5a: {  	_ =	swait.ge [sflag:s31], $0xFA0  }
0x5b: {  	[sflag:s31] =	ssyncset.done $0x0  }
0x5c: {  	[sflag:s31] =	ssyncadd.s32 $0xFFFFF060  }
0x5d: {  	[spmem:s3] =	stream.indirect.scatter.add.f32 [tilespmem:s2], [sflag:$0x5], $0x1, s29, s24, $0xb8;
	[tilespmem:$0xF730] =	vst v63  }
0x5e: {  	_ = 	snop  }
0x5f: {  	[spmem:s5] =	stream.indirect.scatter.add.f32 [tilespmem:s0], [sflag:$0x6], $0x1, s29, s24, $0xb8;
	[tilespmem:$0xF730] =	vst v63  }
0x60: {  	_ =	swait.ge [sflag:s7], $0xFA0  }
0x61: {  	[sflag:s7] =	ssyncset.done $0x0  }
0x62: {  	[sflag:s7] =	ssyncadd.s32 $0xFFFFF060  }
0x63: {  	_ =	swait.ge [sflag:s8], $0xFA0  }
0x64: {  	[sflag:s8] =	ssyncset.done $0x0  }
0x65: {  	[sflag:s8] =	ssyncadd.s32 $0xFFFFF060  }
0x66: {  	_ =	swait.ge [sflag:s10], $0xFA0  }
0x67: {  	[sflag:s10] =	ssyncset.done $0x0  }
0x68: {  	[sflag:s10] =	ssyncadd.s32 $0xFFFFF060  }
0x69: {  	_ =	swait.ge [sflag:s11], $0xFA0  }
0x6a: {  	s14 =	simm.s32 $0x3E8;
	s15 =	simm.s32 $0x7D0;
	[sflag:s11] =	ssyncset.done $0x0  }
.LBB2_2:
0x6b: {  	s12 =	sadd.s32 s14, s17  }
0x6c: {  	[sflag:s11] =	ssyncadd.s32 $0xFFFFF060;
	s20 =	smov.u32 s15;
	s9 =	sadd.s32 $0x3E8, s15  }
0x6d: {  	[tilespmem:s22], [sflag:$0x7] =	stream.linear.gather [hbm4b:s12+s6], $0xFA0, $0x38;
	[tilespmem:$0xF730] =	vst v63  }
0x6e: {  	p0 =	sne.s32 s15, $0x5DC0;
	_ =	swait.ge [sflag:s21], $0xFA0  }
0x6f: {  	[sflag:s21] =	ssyncset.done $0x0  }
0x70: {  	s12 =	sadd.s32 s14, s18;
	[sflag:s21] =	ssyncadd.s32 $0xFFFFF060  }
0x71: {  	[tilespmem:s23], [sflag:$0x7] =	stream.linear.gather [hbm4b:s12+s6], $0xFA0, $0x38;
	[tilespmem:$0xF730] =	vst v63  }
0x72: {  	_ =	swait.ge [sflag:s21], $0xFA0  }
0x73: {  	[sflag:s21] =	ssyncset.done $0x0  }
0x74: {  	[sflag:s21] =	ssyncadd.s32 $0xFFFFF060  }
0x75: {  	[tilespmem:s25], [sflag:$0x1] =	stream.indirect.gather [spmem:s1], $0x1, s22, s24, $0xb8;
	[tilespmem:$0xF730] =	vst v63  }
0x76: {  	_ = 	snop  }
0x77: {  	[tilespmem:s26], [sflag:$0x2] =	stream.indirect.gather [spmem:s4], $0x1, s22, s24, $0xb8;
	[tilespmem:$0xF730] =	vst v63  }
0x78: {  	s12 =	sadd.s32 s14, s19  }
0x79: {  	[tilespmem:s28], [sflag:$0x7] =	stream.linear.gather [hbm4b:s12+s6], $0xFA0, $0x38;
	[tilespmem:$0xF730] =	vst v63  }
0x7a: {  	_ =	swait.ge [sflag:s21], $0xFA0  }
0x7b: {  	[sflag:s21] =	ssyncset.done $0x0  }
0x7c: {  	s12 =	sadd.s32 s14, s16;
	s14 =	smov.u32 s20;
	[sflag:s21] =	ssyncadd.s32 $0xFFFFF060  }
0x7d: {  	[tilespmem:s29], [sflag:$0x7] =	stream.linear.gather [hbm4b:s12+s6], $0xFA0, $0x38;
	[tilespmem:$0xF730] =	vst v63  }
0x7e: {  	_ =	swait.ge [sflag:s21], $0xFA0  }
0x7f: {  	[sflag:s21] =	ssyncset.done $0x0  }
0x80: {  	[sflag:s21] =	ssyncadd.s32 $0xFFFFF060  }
0x81: {  	_ =	swait.ge [sflag:s30], $0xFA0  }
0x82: {  	[sflag:s30] =	ssyncset.done $0x0  }
0x83: {  	[sflag:s30] =	ssyncadd.s32 $0xFFFFF060  }
0x84: {  	_ =	swait.ge [sflag:s31], $0xFA0  }
0x85: {  	[sflag:s31] =	ssyncset.done $0x0  }
0x86: {  	[sflag:s31] =	ssyncadd.s32 $0xFFFFF060  }
0x87: {  	[spmem:s3] =	stream.indirect.scatter.add.f32 [tilespmem:s25], [sflag:$0x3], $0x1, s23, s24, $0xb8;
	[tilespmem:$0xF730] =	vst v63  }
0x88: {  	_ = 	snop  }
0x89: {  	[spmem:s5] =	stream.indirect.scatter.add.f32 [tilespmem:s26], [sflag:$0x4], $0x1, s23, s24, $0xb8;
	[tilespmem:$0xF730] =	vst v63  }
0x8a: {  	_ = 	snop  }
0x8b: {  	[tilespmem:s2], [sflag:$0x1] =	stream.indirect.gather [spmem:s1], $0x1, s28, s24, $0xb8;
	[tilespmem:$0xF730] =	vst v63  }
0x8c: {  	_ = 	snop  }
0x8d: {  	[tilespmem:s0], [sflag:$0x2] =	stream.indirect.gather [spmem:s4], $0x1, s28, s24, $0xb8;
	[tilespmem:$0xF730] =	vst v63  }
0x8e: {  	_ =	swait.ge [sflag:s30], $0xFA0  }
0x8f: {  	[sflag:s30] =	ssyncset.done $0x0  }
0x90: {  	[sflag:s30] =	ssyncadd.s32 $0xFFFFF060  }
0x91: {  	_ =	swait.ge [sflag:s31], $0xFA0  }
0x92: {  	[sflag:s31] =	ssyncset.done $0x0  }
0x93: {  	[sflag:s31] =	ssyncadd.s32 $0xFFFFF060  }
0x94: {  	[spmem:s3] =	stream.indirect.scatter.add.f32 [tilespmem:s2], [sflag:$0x5], $0x1, s29, s24, $0xb8;
	[tilespmem:$0xF730] =	vst v63  }
0x95: {  	_ = 	snop  }
0x96: {  	[spmem:s5] =	stream.indirect.scatter.add.f32 [tilespmem:s0], [sflag:$0x6], $0x1, s29, s24, $0xb8;
	[tilespmem:$0xF730] =	vst v63  }
0x97: {  	_ =	swait.ge [sflag:s7], $0xFA0  }
0x98: {  	[sflag:s7] =	ssyncset.done $0x0  }
0x99: {  	[sflag:s7] =	ssyncadd.s32 $0xFFFFF060  }
0x9a: {  	_ =	swait.ge [sflag:s8], $0xFA0  }
0x9b: {  	[sflag:s8] =	ssyncset.done $0x0  }
0x9c: {  	[sflag:s8] =	ssyncadd.s32 $0xFFFFF060  }
.Ltmp0:
0x9d: {  	_ =	swait.ge [sflag:s10], $0xFA0;
	(pc) =	sbr.rel @p0 .LBB2_2-.Ltmp0, $4  }
0x9e: {  	[sflag:s10] =	ssyncset.done $0x0  }
0x9f: {  	[sflag:s10] =	ssyncadd.s32 $0xFFFFF060  }
0xa0: {  	_ =	swait.ge [sflag:s11], $0xFA0  }
0xa1: {  	s15 =	smov.u32 s9;
	[sflag:s11] =	ssyncset.done $0x0  }
0xa2: {  	s9 =	sadd.s32 s14, s17;
	[sflag:s11] =	ssyncadd.s32 $0xFFFFF060  }
0xa3: {  	[tilespmem:s22], [sflag:$0x7] =	stream.linear.gather [hbm4b:s9+s6], $0xFA0, $0x38;
	[tilespmem:$0xF730] =	vst v63  }
0xa4: {  	_ =	swait.ge [sflag:s21], $0xFA0  }
0xa5: {  	[sflag:s21] =	ssyncset.done $0x0  }
0xa6: {  	s15 =	sadd.s32 s14, s18;
	[sflag:s21] =	ssyncadd.s32 $0xFFFFF060  }
0xa7: {  	[tilespmem:s23], [sflag:$0x7] =	stream.linear.gather [hbm4b:s15+s6], $0xFA0, $0x38;
	[tilespmem:$0xF730] =	vst v63  }
0xa8: {  	_ =	swait.ge [sflag:s21], $0xFA0  }
0xa9: {  	[sflag:s21] =	ssyncset.done $0x0  }
0xaa: {  	[sflag:s21] =	ssyncadd.s32 $0xFFFFF060  }
0xab: {  	[tilespmem:s25], [sflag:$0x1] =	stream.indirect.gather [spmem:s1], $0x1, s22, s24, $0xb8;
	[tilespmem:$0xF730] =	vst v63  }
0xac: {  	_ = 	snop  }
0xad: {  	[tilespmem:s26], [sflag:$0x2] =	stream.indirect.gather [spmem:s4], $0x1, s22, s24, $0xb8;
	[tilespmem:$0xF730] =	vst v63  }
0xae: {  	s20 =	sadd.s32 s14, s19  }
0xaf: {  	[tilespmem:s28], [sflag:$0x7] =	stream.linear.gather [hbm4b:s20+s6], $0xFA0, $0x38;
	[tilespmem:$0xF730] =	vst v63  }
0xb0: {  	_ =	swait.ge [sflag:s21], $0xFA0  }
0xb1: {  	[sflag:s21] =	ssyncset.done $0x0  }
0xb2: {  	s12 =	sadd.s32 s14, s16;
	[sflag:s21] =	ssyncadd.s32 $0xFFFFF060  }
0xb3: {  	[tilespmem:s29], [sflag:$0x7] =	stream.linear.gather [hbm4b:s12+s6], $0xFA0, $0x38;
	[tilespmem:$0xF730] =	vst v63  }
0xb4: {  	_ =	swait.ge [sflag:s21], $0xFA0  }
0xb5: {  	[sflag:s21] =	ssyncset.done $0x0  }
0xb6: {  	[sflag:s21] =	ssyncadd.s32 $0xFFFFF060  }
0xb7: {  	_ =	swait.ge [sflag:s30], $0xFA0  }
0xb8: {  	[sflag:s30] =	ssyncset.done $0x0  }
0xb9: {  	[sflag:s30] =	ssyncadd.s32 $0xFFFFF060  }
0xba: {  	_ =	swait.ge [sflag:s31], $0xFA0  }
0xbb: {  	[sflag:s31] =	ssyncset.done $0x0  }
0xbc: {  	[sflag:s31] =	ssyncadd.s32 $0xFFFFF060  }
0xbd: {  	[spmem:s3] =	stream.indirect.scatter.add.f32 [tilespmem:s25], [sflag:$0x3], $0x1, s23, s24, $0xb8;
	[tilespmem:$0xF730] =	vst v63  }
0xbe: {  	_ = 	snop  }
0xbf: {  	[spmem:s5] =	stream.indirect.scatter.add.f32 [tilespmem:s26], [sflag:$0x4], $0x1, s23, s24, $0xb8;
	[tilespmem:$0xF730] =	vst v63  }
0xc0: {  	_ = 	snop  }
0xc1: {  	[tilespmem:s2], [sflag:$0x1] =	stream.indirect.gather [spmem:s1], $0x1, s28, s24, $0xb8;
	[tilespmem:$0xF730] =	vst v63  }
0xc2: {  	_ = 	snop  }
0xc3: {  	[tilespmem:s0], [sflag:$0x2] =	stream.indirect.gather [spmem:s4], $0x1, s28, s24, $0xb8;
	[tilespmem:$0xF730] =	vst v63  }
0xc4: {  	_ =	swait.ge [sflag:s30], $0xFA0  }
0xc5: {  	[sflag:s30] =	ssyncset.done $0x0  }
0xc6: {  	[sflag:s30] =	ssyncadd.s32 $0xFFFFF060  }
0xc7: {  	_ =	swait.ge [sflag:s31], $0xFA0  }
0xc8: {  	[sflag:s31] =	ssyncset.done $0x0  }
0xc9: {  	[sflag:s31] =	ssyncadd.s32 $0xFFFFF060  }
0xca: {  	[spmem:s3] =	stream.indirect.scatter.add.f32 [tilespmem:s2], [sflag:$0x5], $0x1, s29, s24, $0xb8;
	[tilespmem:$0xF730] =	vst v63  }
0xcb: {  	_ = 	snop  }
0xcc: {  	[spmem:s5] =	stream.indirect.scatter.add.f32 [tilespmem:s0], [sflag:$0x6], $0x1, s29, s24, $0xb8;
	[tilespmem:$0xF730] =	vst v63  }
0xcd: {  	_ =	swait.ge [sflag:s7], $0xFA0  }
0xce: {  	[sflag:s7] =	ssyncset.done $0x0  }
0xcf: {  	[sflag:s7] =	ssyncadd.s32 $0xFFFFF060  }
0xd0: {  	_ =	swait.ge [sflag:s8], $0xFA0  }
0xd1: {  	[sflag:s8] =	ssyncset.done $0x0  }
0xd2: {  	[sflag:s8] =	ssyncadd.s32 $0xFFFFF060  }
0xd3: {  	_ =	swait.ge [sflag:s10], $0xFA0  }
0xd4: {  	[sflag:s10] =	ssyncset.done $0x0  }
0xd5: {  	[sflag:s10] =	ssyncadd.s32 $0xFFFFF060  }
0xd6: {  	_ =	swait.ge [sflag:s11], $0xFA0  }
0xd7: {  	[sflag:s11] =	ssyncset.done $0x0  }
0xd8: {  	[sflag:s11] =	ssyncadd.s32 $0xFFFFF060  }
0xd9: {  	[bflag:$0x0] =	sbarrier.arrive $0xFFFF  }
0xda: {  	s15 =	simm.s32 $0x61C0;
	s12 =	rddreg [dreg:$0x8]  }
0xdb: {  	[tilespmem:s15], [sflag:$0x7] =	stream.linear.gather [spmem:s12], $0x1870, $0x38;
	[tilespmem:$0xF730] =	vst v63  }
0xdc: {  	_ =	swait.ge [sflag:s21], $0x1870  }
0xdd: {  	[sflag:s21] =	ssyncset.done $0x0  }
0xde: {  	s14 =	rddreg [dreg:$0xc];
	[sflag:s21] =	ssyncadd.s32 $0xFFFFE790  }
0xdf: {  	[hbm4b:s14+s6] =	stream.linear.scatter [tilespmem:s15], [sflag:$0x7], $0x1870, $0x38;
	[tilespmem:$0xF730] =	vst v63  }
0xe0: {  	_ =	swait.ge [sflag:s21], $0x1870  }
0xe1: {  	[sflag:s21] =	ssyncset.done $0x0  }
0xe2: {  	s14 =	rddreg [dreg:$0xb];
	[sflag:s21] =	ssyncadd.s32 $0xFFFFE790  }
0xe3: {  	[tilespmem:s15], [sflag:$0x7] =	stream.linear.gather [spmem:s14], $0x1870, $0x38;
	[tilespmem:$0xF730] =	vst v63  }
0xe4: {  	_ =	swait.ge [sflag:s21], $0x1870  }
0xe5: {  	[sflag:s21] =	ssyncset.done $0x0  }
0xe6: {  	s20 =	rddreg [dreg:$0xd];
	[sflag:s21] =	ssyncadd.s32 $0xFFFFE790  }
0xe7: {  	[hbm4b:s20+s6] =	stream.linear.scatter [tilespmem:s15], [sflag:$0x7], $0x1870, $0x38;
	[tilespmem:$0xF730] =	vst v63  }
0xe8: {  	_ =	swait.ge [sflag:s21], $0x1870  }
0xe9: {  	s13 =	sadd.s32 $0x1, s13;
	s20 =	rddreg [dreg:$0xe]  }
0xea: {  	p0 =	sne.s32 s13, s20  }
.Ltmp1:
0xeb: {  	_ = 	snop;
	(pc) =	sbr.rel @p0 .LBB2_1-.Ltmp1, $3  }
0xec: {  	_ =	sdelay $0x1  }
0xed: {  	[sflag:s21] =	ssyncset.done $0x0  }
0xee: {  	[sflag:s21] =	ssyncadd.s32 $0xFFFFE790  }
0xef: {  	_ =	sfence.sel $0x180000  }
0xf0: {  	[bflag:$0x0] =	sbarrier.arrive $0xFFFF  }
0xf1: {  	_ =	strace $0x9000004D  }
0xf2: {  	s0 =	stileid.u32;
	[bflag:$0x2] =	sbarrier.arrive $0xFFFF  }
0xf3: {  	p0 =	sne.s32 s0, $0x0;
	s0 =	rddreg [dreg:$0x5]  }
0xf4: {  	s0 =	sadd.s32 @!p0 $0x100000, s0  }
0xf5: {  	[sflag:s0] =	ssyncadd.tile.s32 @!p0 $0x1;
	_ =	shalt  }
.Lfunc_end2:
_tile_overlayer_lowered:
.L_overlay_start_2:
0xf6: {  	(tag) =	ssettag $0x2  }
0xf7: {  	s0 =	rddreg [dreg:$0x0];
	s2 =	stileid.u32  }
0xf8: {  	s1 =	rddreg [dreg:$0x1];
	p0 =	sne.s32 s2, $0x0  }
0xf9: {  	s3 =	rddreg [dreg:$0x2];
	[bflag:$0x3] =	sbarrier.arrive $0xFFFF;
	s2 =	simm.s32 @!p0 $0x1C07  }
0xfa: {  	[timem:s3], [sflag:s2] =	dma.local @!p0 [hbm:s0], s1  }
0xfb: {  	s0 =	simm.s32 @!p0 $0x7  }
0xfc: {  	_ =	swait.ge @!p0 [sflag:s0], s1  }
0xfd: {  	s1 =	ssub.s32 @!p0 $0x0, s1;
	[sflag:s0] =	ssyncset.done @!p0 $0x0  }
0xfe: {  	[sflag:s0] =	ssyncadd.s32 @!p0 s1  }
0xff: {  	[bflag:$0x3] =	sbarrier.arrive $0xFFFF  }
0x100: {  	_ =	shalt  }

// kernel: kernel.14.cloned.1.call-start
scs
__scs_entry_jumppad:
0x0: {  	(pc) =	sbr.rel $0x88, $3  }
0x1: {  	(tag) =	ssettag $0x0;
	lr =	simm.s32 $0x1  }
0x2: {  	[smem:$0x3F9B] =	sst lr;
	_ =	strace $0xD0000000  }
0x3: {  	_ = 	snop  }
0x4: {  	_ = 	snop  }
0x5: {  	_ = 	snop  }
0x6: {  	_ = 	snop  }
0x7: {  	_ = 	snop  }
__scs_overlays_trampoline_lowered:
0x8: {  	[smem:$0x3FAA] =	sst s0  }
0x9: {  	[smem:$0x3FAB] =	sst s1  }
0xa: {  	[smem:$0x3FAC] =	sst s2  }
0xb: {  	[smem:$0x3FAD] =	sst s3  }
0xc: {  	[smem:$0x3FAE] =	sst s4  }
0xd: {  	[smem:$0x3FAF] =	sst s5  }
0xe: {  	[smem:$0x3FB0] =	sst s6  }
0xf: {  	[smem:$0x3FB1] =	sst s7  }
0x10: {  	[smem:$0x3FB2] =	sst s8  }
0x11: {  	[smem:$0x3FB3] =	sst s9;
	s0 =	simm.s32 @!p0 $0x0  }
0x12: {  	s1 =	sld [smem:$0x3F99];
	s0 =	simm.s32 @p0 $0x1  }
0x13: {  	[smem:$0x3FB4] =	sst s0;
	s0 =	simm.s32 @!p1 $0x0  }
0x14: {  	s2 =	sld [smem:$0x3F98];
	s0 =	simm.s32 @p1 $0x1  }
0x15: {  	[smem:$0x3FB5] =	sst s0;
	s0 =	simm.s32 @!p2 $0x0  }
0x16: {  	s3 =	sld [smem:$0x3FDB];
	s0 =	simm.s32 @p2 $0x1  }
0x17: {  	s4 =	simm.s32 $0x1BF5;
	[smem:$0x3FB7] =	sst s0  }
0x18: {  	s0 =	sld [smem:$0x3F9A];
	_ =	swait.ge [sflag:s4], $0x0  }
0x19: {  	s7 =	sld [smem:$0x3F9B]  }
0x1a: {  	s8 =	sadd.s32 $0xFFFFE003, lr  }
0x1b: {  	s9 =	sadd.s32 $0xFFFFFEF7, lr;
	s5 =	simm.s32 $0xFFFFFFFF;
	p2 =	slt.u32 s8, $0xFFFFF086  }
0x1c: {  	p1 =	slt.u32 s9, $0xF7A;
	s5 =	simm.s32 @!p2 $0x0  }
0x1d: {  	s5 =	simm.s32 @p1 $0x1;
	p0 =	seq.s32 s7, s2  }
0x1e: {  	s7 =	smul.u32 @!p0 $0xF7A, s2;
	p2 =	seq.s32 @!p0 s5, $0x0  }
0x1f: {  	s9 =	smul.u32 $0xF7A, s1;
	s8 =	simm.s32 @!p0 $0x1BF5;
	p2 =	por !p2, p0  }
0x20: {  	[sflag:s8] =	ssyncset.s32 @!p0 $0xFFFFF086;
	s6 =	sadd.s32 @!p0 s3, s7;
	s7 =	simm.s32 @!p0 $0x108  }
0x21: {  	s3 =	sadd.s32 s3, s9;
	s6 =	sadd.s32 @!p0 $0x88, s6;
	s7 =	simm.s32 @p2 $0x1082  }
0x22: {  	[simem:s7], [sflag:s8] =	dma.local @!p0 [hbm:s6], $0xF7A  }
0x23: {  	s9 =	sor.u32 $0xD0000000, s2;
	s6 =	simm.s32 $0x108;
	_ =	swait.ge @!p0 [sflag:s8], $0x0  }
0x24: {  	s3 =	sadd.s32 $0x88, s3;
	s6 =	simm.s32 @!p1 $0x1082;
	[sflag:s4] =	ssyncset.s32 $0xFFFFF086  }
0x25: {  	[simem:s6], [sflag:s4] =	dma.local [hbm:s3], $0xF7A  }
0x26: {  	[smem:$0x3F9B] =	sst s1;
	(tag) =	ssettag s2;
	_ =	strace s9  }
0x27: {  	s1 =	sld [smem:$0x3FAB]  }
0x28: {  	s2 =	sld [smem:$0x3FAC]  }
0x29: {  	s4 =	sld [smem:$0x3FAE]  }
0x2a: {  	p0 =	seq.s32 s5, $0x0;
	s5 =	sld [smem:$0x3FAF]  }
0x2b: {  	s6 =	sld [smem:$0x3FB0]  }
0x2c: {  	s7 =	sld [smem:$0x3FB1]  }
0x2d: {  	s3 =	simm.s32 $0x108;
	s8 =	sld [smem:$0x3FB2]  }
0x2e: {  	s3 =	simm.s32 @!p0 $0x1082;
	s9 =	sld [smem:$0x3FB3]  }
0x2f: {  	lr =	sadd.s32 s0, s3;
	s0 =	sld [smem:$0x3FAA]  }
0x30: {  	s3 =	sld [smem:$0x3FAD]  }
0x31: {  	[smem:$0x3FB6] =	sst s10  }
0x32: {  	s10 =	sld [smem:$0x3FB4];
	_ =	sdelay $0x3  }
0x33: {  	p0 =	seq.s32 s10, $0x1;
	s10 =	sld [smem:$0x3FB6];
	_ =	sdelay $0x3  }
0x34: {  	[smem:$0x3FB6] =	sst s10  }
0x35: {  	s10 =	sld [smem:$0x3FB5];
	_ =	sdelay $0x3  }
0x36: {  	p1 =	seq.s32 s10, $0x1;
	s10 =	sld [smem:$0x3FB6];
	_ =	sdelay $0x3  }
0x37: {  	[smem:$0x3FB6] =	sst s10  }
0x38: {  	s10 =	sld [smem:$0x3FB7]  }
0x39: {  	_ = 	snop;
	(pc) =	sbr.ind lr, $3  }
0x3a: {  	_ = 	snop  }
0x3b: {  	_ = 	snop  }
0x3c: {  	p2 =	seq.s32 s10, $0x1;
	s10 =	sld [smem:$0x3FB6]  }
0x3d: {  	_ =	shalt  }
0x3e: {  	_ =	shalt  }
0x3f: {  	_ =	shalt  }
0x40: {  	_ =	shalt  }
0x41: {  	_ =	shalt  }
0x42: {  	_ =	shalt  }
0x43: {  	_ =	shalt  }
0x44: {  	_ =	shalt  }
0x45: {  	_ =	shalt  }
0x46: {  	_ =	shalt  }
0x47: {  	_ =	shalt  }
0x48: {  	_ =	shalt  }
0x49: {  	_ =	shalt  }
0x4a: {  	_ =	shalt  }
0x4b: {  	_ =	shalt  }
0x4c: {  	_ =	shalt  }
0x4d: {  	_ =	shalt  }
0x4e: {  	_ =	shalt  }
0x4f: {  	_ =	shalt  }
0x50: {  	_ =	shalt  }
0x51: {  	_ =	shalt  }
0x52: {  	_ =	shalt  }
0x53: {  	_ =	shalt  }
0x54: {  	_ =	shalt  }
0x55: {  	_ =	shalt  }
0x56: {  	_ =	shalt  }
0x57: {  	_ =	shalt  }
0x58: {  	_ =	shalt  }
0x59: {  	_ =	shalt  }
0x5a: {  	_ =	shalt  }
0x5b: {  	_ =	shalt  }
0x5c: {  	_ =	shalt  }
0x5d: {  	_ =	shalt  }
0x5e: {  	_ =	shalt  }
0x5f: {  	_ =	shalt  }
0x60: {  	_ =	shalt  }
0x61: {  	_ =	shalt  }
0x62: {  	_ =	shalt  }
0x63: {  	_ =	shalt  }
0x64: {  	_ =	shalt  }
0x65: {  	_ =	shalt  }
0x66: {  	_ =	shalt  }
0x67: {  	_ =	shalt  }
0x68: {  	_ =	shalt  }
0x69: {  	_ =	shalt  }
0x6a: {  	_ =	shalt  }
0x6b: {  	_ =	shalt  }
0x6c: {  	_ =	shalt  }
0x6d: {  	_ =	shalt  }
0x6e: {  	_ =	shalt  }
0x6f: {  	_ =	shalt  }
0x70: {  	_ =	shalt  }
0x71: {  	_ =	shalt  }
0x72: {  	_ =	shalt  }
0x73: {  	_ =	shalt  }
0x74: {  	_ =	shalt  }
0x75: {  	_ =	shalt  }
0x76: {  	_ =	shalt  }
0x77: {  	_ =	shalt  }
0x78: {  	_ =	shalt  }
0x79: {  	_ =	shalt  }
0x7a: {  	_ =	shalt  }
0x7b: {  	_ =	shalt  }
0x7c: {  	_ =	shalt  }
0x7d: {  	_ =	shalt  }
0x7e: {  	_ =	shalt  }
0x7f: {  	_ =	shalt  }
0x80: {  	_ =	shalt  }
0x81: {  	_ =	shalt  }
0x82: {  	_ =	shalt  }
0x83: {  	_ =	shalt  }
0x84: {  	_ =	shalt  }
0x85: {  	_ =	shalt  }
0x86: {  	_ =	shalt  }
0x87: {  	_ =	shalt  }
.Lfunc_end0:
.L_simem_size_0:
called_computation.3_lowered:
.L_overlay_start_0:
0x88: {  	s2 =	sld [smem:$0x3FD9]  }
0x89: {  	s3 =	sld [smem:$0x3FFE];
	_ =	sdelay $0x1  }
0x8a: {  	s1 =	srdreg.scid  }
0x8b: {  	s0 =	sand.u32 $0x1, s1  }
0x8c: {  	s16 =	sshll.u32 s0, $0xA;
	s2 =	sadd.s32 s3, s2  }
0x8d: {  	s2 =	sadd.s32 s2, s16  }
0x8e: {  	[smem:$0x3FC2] =	sst s2  }
0x8f: {  	_ = 	snop  }
0x90: {  	(tm) =	ssettm $0x1  }
0x91: {  	s17 =	sld [smem:$0x3FFB];
	_ =	sdelay $0x3  }
0x92: {  	_ =	strace s17  }
0x93: {  	s2 =	sld [smem:$0x3FFC];
	_ =	sdelay $0x3  }
0x94: {  	_ =	strace s2  }
0x95: {  	s2 =	sld [smem:$0x3FFD];
	_ =	sdelay $0x3  }
0x96: {  	_ =	strace s2  }
0x97: {  	_ =	strace $0x8FFFFFFF  }
0x98: {  	s18 =	sld [smem:$0x3FDB];
	_ =	sdelay $0x1  }
0x99: {  	s19 =	simm.s32 $_scs_section_size  }
0x9a: {  	s4 =	simm.s32 $_size__tile_overlayer_lowered;
	s5 =	simm.s32 $_tile_overlayer_lowered  }
0x9b: {  	s22 =	simm.s32 $0x1BFF;
	s21 =	sshll.u32 s5, $0x1;
	s2 =	sadd.s32 s19, s18  }
0x9c: {  	s6 =	simm.s32 $0x0;
	s20 =	sshll.u32 s4, $0x1;
	s4 =	sadd.s32 s21, s2  }
0x9d: {  	[timem:s6], [sflag:s22] =	dma.local [hbm:s4], s20  }
0x9e: {  	_ =	swait.ge [sflag:s22], s20  }
0x9f: {  	s3 =	ssub.s32 $0x0, s20;
	[sflag:s22] =	ssyncset.done $0x0  }
0xa0: {  	[sflag:s22] =	ssyncadd.s32 s3;
	_ =	sdelay $0x1  }
0xa1: {  	s23 =	simm.s32 $0x1B8B  }
0xa2: {  	_ =	swait.ge [sflag:s23], $0x1  }
0xa3: {  	[sflag:s23] =	ssyncset.done $0x0  }
0xa4: {  	s25 =	simm.s32 $0x1B8E;
	s24 =	sld [smem:$0x3FFE];
	[sflag:s23] =	ssyncadd.s32 $0xFFFFFFFF  }
0xa5: {  	s26 =	simm.s32 $execute0_lowered;
	[smem:$0x3FD2] =	sst s25  }
0xa6: {  	s4 =	sshll.u32 s26, $0x1;
	_ =	strace $0x8000004F;
	[dreg:$0x1] =	wrdreg $0xFFFFFFFF  }
0xa7: {  	s28 =	simm.s32 $_size_execute0_lowered;
	s2 =	sadd.s32 s2, s4;
	[dreg:$0x0] =	wrdreg $0x0  }
0xa8: {  	s4 =	sshll.u32 s28, $0x1;
	[dreg:$0x2] =	wrdreg s2  }
0xa9: {  	[dreg:$0x3] =	wrdreg s4  }
0xaa: {  	[dreg:$0x4] =	wrdreg $0xC0  }
0xab: {  	_ =	task [dreg:s6], $0x5FFFF  }
0xac: {  	[dreg:$0x1] =	wrdreg $0xFFFFFFFF  }
0xad: {  	[dreg:$0x0] =	wrdreg $0x60  }
0xae: {  	[dreg:$0x2] =	wrdreg s24  }
0xaf: {  	[dreg:$0x3] =	wrdreg $0x0  }
0xb0: {  	[dreg:$0x4] =	wrdreg $0x18700  }
0xb1: {  	[dreg:$0x5] =	wrdreg $0x9  }
0xb2: {  	_ =	task.clear_ibuf [dreg:s6], $0x6FFFF;
	_ =	strace $0x9000004F  }
0xb3: {  	s29 =	simm.s32 $0x9;
	_ =	strace $0x80000051  }
0xb4: {  	_ =	swait.ge [sflag:s29], $0x1  }
0xb5: {  	[sflag:s29] =	ssyncadd.s32 $0xFFFFFFFF  }
0xb6: {  	_ =	strace $0x90000051  }
0xb7: {  	_ =	sfence  }
0xb8: {  	s30 =	sld [smem:$0x0];
	_ =	sdelay $0x2  }
0xb9: {  	s31 =	sshll.u32 s1, $0xD;
	s1 =	sshrl.u32 s1, $0x2  }
0xba: {  	s3 =	sand.u32 $0x4000, s31;
	s1 =	sadd.s32 s1, s30  }
0xbb: {  	s0 =	sor.u32 s3, s0;
	s1 =	sshll.u32 s1, $0x11  }
0xbc: {  	s0 =	sor.u32 s1, s0  }
0xbd: {  	s0 =	sadd.s32 $0x8F2B, s0  }
0xbe: {  	[sflag:s0] =	ssyncadd.remote.s32 $0x1  }
0xbf: {  	_ =	sfence.sel $0xFFFF  }
0xc0: {  	[dreg:$0x0] =	wrdreg $0xFFFFFFFF;
	(pc) =	sbr.abs _section_cstart, $3  }
0xc1: {  	[dreg:$0x1] =	wrdreg $0xFFFFFFFF  }
0xc2: {  	_ =	task.clear_ibuf [dreg:s6], $0x2FFFF;
	_ =	strace $0x9FFFFFFF  }
0xc3: {  	(tm) =	ssettm $0x7FFFFFFF  }
tec
execute0_lowered:
.L_overlay_start_1:
0x0: {  	(tag) =	ssettag $0x1  }
0x1: {  	s5 =	rddreg [dreg:$0x0]  }
0x2: {  	s2 =	rddreg [dreg:$0x1]  }
0x3: {  	s3 =	rddreg [dreg:$0x2];
	s1 =	stileid.u32  }
0x4: {  	s6 =	srdreg.scid;
	s4 =	simm.s32 $0x0;
	s16 =	simm.s32 $0x4950  }
0x5: {  	s17 =	simm.s32 $0x58F0;
	s18 =	simm.s32 $0xFA0;
	s19 =	simm.s32 $0x87D0  }
0x6: {  	s20 =	simm.s32 $0x6890;
	s21 =	simm.s32 $0x7830;
	s22 =	simm.s32 $0x1  }
0x7: {  	s23 =	simm.s32 $0x9770;
	s24 =	simm.s32 $0x2;
	s7 =	smul.u32 $0x1870, s1  }
0x8: {  	s6 =	sand.u32 $0x1, s6;
	[smem:$0x7FF] =	sst s4;
	s11 =	smul.u32 $0x30D40, s1  }
0x9: {  	s13 =	sadd.s32 $0x1200, s5;
	s8 =	smul.u32 $0x18700, s6;
	_ =	strace $0x80000050  }
0xa: {  	s10 =	smul.u32 $0x30D400, s6;
	s6 =	ssub.s32 $0x2, s6;
	s9 =	sshrl.u32 s7, $0x3  }
0xb: {  	s25 =	sshrl.u32 s6, $0x1;
	s9 =	sadd.s32 s9, s5;
	s8 =	sadd.s32 s7, s8  }
0xc: {  	s11 =	sadd.s32 s11, s10;
	s26 =	ssub.s32 s6, s25;
	s6 =	sadd.s32 s7, s2  }
0xd: {  	s7 =	sadd.s32 s7, s3;
	s25 =	simm.s32 $0x3;
	s8 =	sshrl.u32 s8, $0x3  }
0xe: {  	s28 =	sadd.s32 $0x61B7A0, s11;
	s29 =	sshrl.u32 s11, $0x3;
	s14 =	sadd.s32 $0x61A800, s11  }
0xf: {  	s15 =	sadd.s32 $0xFA0, s11;
	s8 =	sadd.s32 s8, s5;
	s5 =	sadd.s32 $0x187C00, s9  }
0x10: {  	s12 =	sshrl.u32 s28, $0x3;
	s9 =	smax.u32 s26, $0x1;
	s11 =	sadd.s32 s29, s13  }
0x11: {  	s30 =	sshrl.u32 s14, $0x3;
	s31 =	sshrl.u32 s15, $0x3;
	s14 =	simm.s32 $0x30E0  }
0x12: {  	s15 =	simm.s32 $0x4;
	s26 =	simm.s32 $0x0;
	s8 =	sadd.s32 $0x18AE00, s8  }
0x13: {  	s10 =	sadd.s32 s12, s13;
	s12 =	sadd.s32 s30, s13;
	s13 =	sadd.s32 s31, s13  }
.LBB2_1:
0x14: {  	[tilespmem:s14], [sflag:$0x4] =	stream.linear.gather [hbm4b:s5+s4], $0x1870, $0x38;
	[tilespmem:$0xA710] =	vst v63  }
0x15: {  	_ =	swait.ge [sflag:s15], $0x1870  }
0x16: {  	[sflag:s15] =	ssyncset.done $0x0  }
0x17: {  	[sflag:s15] =	ssyncadd.s32 $0xFFFFE790  }
0x18: {  	[spmem:s6] =	stream.linear.scatter [tilespmem:s14], [sflag:$0x4], $0x1870, $0x38;
	[tilespmem:$0xA710] =	vst v63  }
0x19: {  	_ =	swait.ge [sflag:s15], $0x1870  }
0x1a: {  	[sflag:s15] =	ssyncset.done $0x0  }
0x1b: {  	[sflag:s15] =	ssyncadd.s32 $0xFFFFE790  }
0x1c: {  	[spmem:s7] =	stream.linear.scatter [tilespmem:s14], [sflag:$0x4], $0x1870, $0x38;
	[tilespmem:$0xA710] =	vst v63  }
0x1d: {  	_ =	swait.ge [sflag:s15], $0x1870  }
0x1e: {  	[sflag:s15] =	ssyncset.done $0x0  }
0x1f: {  	[sflag:s15] =	ssyncadd.s32 $0xFFFFE790  }
0x20: {  	s28 =	sadd.s32 $0x0, s11;
	[bflag:$0x0] =	sbarrier.arrive $0xFFFF  }
0x21: {  	[tilespmem:s16], [sflag:$0x4] =	stream.linear.gather [hbm4b:s28+s4], $0xFA0, $0x38;
	[tilespmem:$0xA710] =	vst v63  }
0x22: {  	_ =	swait.ge [sflag:s15], $0xFA0  }
0x23: {  	[sflag:s15] =	ssyncset.done $0x0  }
0x24: {  	s28 =	sadd.s32 $0x0, s12;
	[sflag:s15] =	ssyncadd.s32 $0xFFFFF060  }
0x25: {  	[tilespmem:s17], [sflag:$0x4] =	stream.linear.gather [hbm4b:s28+s4], $0xFA0, $0x38;
	[tilespmem:$0xA710] =	vst v63  }
0x26: {  	_ =	swait.ge [sflag:s15], $0xFA0  }
0x27: {  	[sflag:s15] =	ssyncset.done $0x0  }
0x28: {  	[sflag:s15] =	ssyncadd.s32 $0xFFFFF060  }
0x29: {  	[tilespmem:s19], [sflag:$0x1] =	stream.indirect.gather [spmem:s2], $0x1, s16, s18, $0xb8;
	[tilespmem:$0xA710] =	vst v63  }
0x2a: {  	s28 =	sadd.s32 $0x0, s13  }
0x2b: {  	[tilespmem:s20], [sflag:$0x4] =	stream.linear.gather [hbm4b:s28+s4], $0xFA0, $0x38;
	[tilespmem:$0xA710] =	vst v63  }
0x2c: {  	_ =	swait.ge [sflag:s15], $0xFA0  }
0x2d: {  	[sflag:s15] =	ssyncset.done $0x0  }
0x2e: {  	s28 =	sadd.s32 $0x0, s10;
	[sflag:s15] =	ssyncadd.s32 $0xFFFFF060  }
0x2f: {  	[tilespmem:s21], [sflag:$0x4] =	stream.linear.gather [hbm4b:s28+s4], $0xFA0, $0x38;
	[tilespmem:$0xA710] =	vst v63  }
0x30: {  	_ =	swait.ge [sflag:s15], $0xFA0  }
0x31: {  	[sflag:s15] =	ssyncset.done $0x0  }
0x32: {  	[sflag:s15] =	ssyncadd.s32 $0xFFFFF060  }
0x33: {  	_ =	swait.ge [sflag:s22], $0xFA0  }
0x34: {  	[sflag:s22] =	ssyncset.done $0x0  }
0x35: {  	[sflag:s22] =	ssyncadd.s32 $0xFFFFF060  }
0x36: {  	[spmem:s3] =	stream.indirect.scatter.add.f32 [tilespmem:s19], [sflag:$0x2], $0x1, s17, s18, $0xb8;
	[tilespmem:$0xA710] =	vst v63  }
0x37: {  	_ = 	snop  }
0x38: {  	[tilespmem:s23], [sflag:$0x1] =	stream.indirect.gather [spmem:s2], $0x1, s20, s18, $0xb8;
	[tilespmem:$0xA710] =	vst v63  }
0x39: {  	_ =	swait.ge [sflag:s22], $0xFA0  }
0x3a: {  	[sflag:s22] =	ssyncset.done $0x0  }
0x3b: {  	[sflag:s22] =	ssyncadd.s32 $0xFFFFF060  }
0x3c: {  	[spmem:s3] =	stream.indirect.scatter.add.f32 [tilespmem:s23], [sflag:$0x3], $0x1, s21, s18, $0xb8;
	[tilespmem:$0xA710] =	vst v63  }
0x3d: {  	_ =	swait.ge [sflag:s24], $0xFA0  }
0x3e: {  	[sflag:s24] =	ssyncset.done $0x0  }
0x3f: {  	[sflag:s24] =	ssyncadd.s32 $0xFFFFF060  }
0x40: {  	_ =	swait.ge [sflag:s25], $0xFA0  }
0x41: {  	s30 =	simm.s32 $0x7D0;
	s28 =	simm.s32 $0x3E8;
	[sflag:s25] =	ssyncset.done $0x0  }
.LBB2_2:
0x42: {  	s31 =	sadd.s32 s28, s11  }
0x43: {  	[sflag:s25] =	ssyncadd.s32 $0xFFFFF060;
	s0 =	smov.u32 s30;
	s29 =	sadd.s32 $0x3E8, s30  }
0x44: {  	[tilespmem:s16], [sflag:$0x4] =	stream.linear.gather [hbm4b:s31+s4], $0xFA0, $0x38;
	[tilespmem:$0xA710] =	vst v63  }
0x45: {  	p0 =	sne.s32 s30, $0x5DC0;
	_ =	swait.ge [sflag:s15], $0xFA0  }
0x46: {  	[sflag:s15] =	ssyncset.done $0x0  }
0x47: {  	s30 =	sadd.s32 s28, s12;
	[sflag:s15] =	ssyncadd.s32 $0xFFFFF060  }
0x48: {  	[tilespmem:s17], [sflag:$0x4] =	stream.linear.gather [hbm4b:s30+s4], $0xFA0, $0x38;
	[tilespmem:$0xA710] =	vst v63  }
0x49: {  	_ =	swait.ge [sflag:s15], $0xFA0  }
0x4a: {  	[sflag:s15] =	ssyncset.done $0x0  }
0x4b: {  	[sflag:s15] =	ssyncadd.s32 $0xFFFFF060  }
0x4c: {  	[tilespmem:s19], [sflag:$0x1] =	stream.indirect.gather [spmem:s2], $0x1, s16, s18, $0xb8;
	[tilespmem:$0xA710] =	vst v63  }
0x4d: {  	s30 =	sadd.s32 s28, s13  }
0x4e: {  	[tilespmem:s20], [sflag:$0x4] =	stream.linear.gather [hbm4b:s30+s4], $0xFA0, $0x38;
	[tilespmem:$0xA710] =	vst v63  }
0x4f: {  	_ =	swait.ge [sflag:s15], $0xFA0  }
0x50: {  	[sflag:s15] =	ssyncset.done $0x0  }
0x51: {  	s30 =	sadd.s32 s28, s10;
	s28 =	smov.u32 s0;
	[sflag:s15] =	ssyncadd.s32 $0xFFFFF060  }
0x52: {  	[tilespmem:s21], [sflag:$0x4] =	stream.linear.gather [hbm4b:s30+s4], $0xFA0, $0x38;
	[tilespmem:$0xA710] =	vst v63  }
0x53: {  	_ =	swait.ge [sflag:s15], $0xFA0  }
0x54: {  	[sflag:s15] =	ssyncset.done $0x0  }
0x55: {  	[sflag:s15] =	ssyncadd.s32 $0xFFFFF060  }
0x56: {  	_ =	swait.ge [sflag:s22], $0xFA0  }
0x57: {  	[sflag:s22] =	ssyncset.done $0x0  }
0x58: {  	[sflag:s22] =	ssyncadd.s32 $0xFFFFF060  }
0x59: {  	[spmem:s3] =	stream.indirect.scatter.add.f32 [tilespmem:s19], [sflag:$0x2], $0x1, s17, s18, $0xb8;
	[tilespmem:$0xA710] =	vst v63  }
0x5a: {  	_ = 	snop  }
0x5b: {  	[tilespmem:s23], [sflag:$0x1] =	stream.indirect.gather [spmem:s2], $0x1, s20, s18, $0xb8;
	[tilespmem:$0xA710] =	vst v63  }
0x5c: {  	_ =	swait.ge [sflag:s22], $0xFA0  }
0x5d: {  	[sflag:s22] =	ssyncset.done $0x0  }
0x5e: {  	[sflag:s22] =	ssyncadd.s32 $0xFFFFF060  }
0x5f: {  	[spmem:s3] =	stream.indirect.scatter.add.f32 [tilespmem:s23], [sflag:$0x3], $0x1, s21, s18, $0xb8;
	[tilespmem:$0xA710] =	vst v63  }
.Ltmp0:
0x60: {  	_ =	swait.ge [sflag:s24], $0xFA0;
	(pc) =	sbr.rel @p0 .LBB2_2-.Ltmp0, $4  }
0x61: {  	[sflag:s24] =	ssyncset.done $0x0  }
0x62: {  	[sflag:s24] =	ssyncadd.s32 $0xFFFFF060  }
0x63: {  	_ =	swait.ge [sflag:s25], $0xFA0  }
0x64: {  	s30 =	smov.u32 s29;
	[sflag:s25] =	ssyncset.done $0x0  }
0x65: {  	s0 =	sadd.s32 s28, s11;
	[sflag:s25] =	ssyncadd.s32 $0xFFFFF060  }
0x66: {  	[tilespmem:s16], [sflag:$0x4] =	stream.linear.gather [hbm4b:s0+s4], $0xFA0, $0x38;
	[tilespmem:$0xA710] =	vst v63  }
0x67: {  	_ =	swait.ge [sflag:s15], $0xFA0  }
0x68: {  	[sflag:s15] =	ssyncset.done $0x0  }
0x69: {  	s29 =	sadd.s32 s28, s12;
	[sflag:s15] =	ssyncadd.s32 $0xFFFFF060  }
0x6a: {  	[tilespmem:s17], [sflag:$0x4] =	stream.linear.gather [hbm4b:s29+s4], $0xFA0, $0x38;
	[tilespmem:$0xA710] =	vst v63  }
0x6b: {  	_ =	swait.ge [sflag:s15], $0xFA0  }
0x6c: {  	[sflag:s15] =	ssyncset.done $0x0  }
0x6d: {  	[sflag:s15] =	ssyncadd.s32 $0xFFFFF060  }
0x6e: {  	[tilespmem:s19], [sflag:$0x1] =	stream.indirect.gather [spmem:s2], $0x1, s16, s18, $0xb8;
	[tilespmem:$0xA710] =	vst v63  }
0x6f: {  	s30 =	sadd.s32 s28, s13  }
0x70: {  	[tilespmem:s20], [sflag:$0x4] =	stream.linear.gather [hbm4b:s30+s4], $0xFA0, $0x38;
	[tilespmem:$0xA710] =	vst v63  }
0x71: {  	_ =	swait.ge [sflag:s15], $0xFA0  }
0x72: {  	[sflag:s15] =	ssyncset.done $0x0  }
0x73: {  	s31 =	sadd.s32 s28, s10;
	[sflag:s15] =	ssyncadd.s32 $0xFFFFF060  }
0x74: {  	[tilespmem:s21], [sflag:$0x4] =	stream.linear.gather [hbm4b:s31+s4], $0xFA0, $0x38;
	[tilespmem:$0xA710] =	vst v63  }
0x75: {  	_ =	swait.ge [sflag:s15], $0xFA0  }
0x76: {  	[sflag:s15] =	ssyncset.done $0x0  }
0x77: {  	[sflag:s15] =	ssyncadd.s32 $0xFFFFF060  }
0x78: {  	_ =	swait.ge [sflag:s22], $0xFA0  }
0x79: {  	[sflag:s22] =	ssyncset.done $0x0  }
0x7a: {  	[sflag:s22] =	ssyncadd.s32 $0xFFFFF060  }
0x7b: {  	[spmem:s3] =	stream.indirect.scatter.add.f32 [tilespmem:s19], [sflag:$0x2], $0x1, s17, s18, $0xb8;
	[tilespmem:$0xA710] =	vst v63  }
0x7c: {  	_ = 	snop  }
0x7d: {  	[tilespmem:s23], [sflag:$0x1] =	stream.indirect.gather [spmem:s2], $0x1, s20, s18, $0xb8;
	[tilespmem:$0xA710] =	vst v63  }
0x7e: {  	_ =	swait.ge [sflag:s22], $0xFA0  }
0x7f: {  	[sflag:s22] =	ssyncset.done $0x0  }
0x80: {  	[sflag:s22] =	ssyncadd.s32 $0xFFFFF060  }
0x81: {  	[spmem:s3] =	stream.indirect.scatter.add.f32 [tilespmem:s23], [sflag:$0x3], $0x1, s21, s18, $0xb8;
	[tilespmem:$0xA710] =	vst v63  }
0x82: {  	_ =	swait.ge [sflag:s24], $0xFA0  }
0x83: {  	[sflag:s24] =	ssyncset.done $0x0  }
0x84: {  	[sflag:s24] =	ssyncadd.s32 $0xFFFFF060  }
0x85: {  	_ =	swait.ge [sflag:s25], $0xFA0  }
0x86: {  	[sflag:s25] =	ssyncset.done $0x0  }
0x87: {  	[sflag:s25] =	ssyncadd.s32 $0xFFFFF060  }
0x88: {  	[bflag:$0x0] =	sbarrier.arrive $0xFFFF  }
0x89: {  	[tilespmem:s14], [sflag:$0x4] =	stream.linear.gather [spmem:s7], $0x1870, $0x38;
	[tilespmem:$0xA710] =	vst v63  }
0x8a: {  	s26 =	sadd.s32 $0x1, s26;
	_ =	swait.ge [sflag:s15], $0x1870  }
0x8b: {  	p0 =	sne.s32 s26, s9;
	[sflag:s15] =	ssyncset.done $0x0  }
.Ltmp1:
0x8c: {  	[sflag:s15] =	ssyncadd.s32 $0xFFFFE790;
	(pc) =	sbr.rel @p0 .LBB2_1-.Ltmp1, $4  }
0x8d: {  	[hbm4b:s8+s4] =	stream.linear.scatter [tilespmem:s14], [sflag:$0x4], $0x1870, $0x38;
	[tilespmem:$0xA710] =	vst v63  }
0x8e: {  	_ =	swait.ge [sflag:s15], $0x1870  }
0x8f: {  	[sflag:s15] =	ssyncset.done $0x0  }
0x90: {  	[sflag:s15] =	ssyncadd.s32 $0xFFFFE790  }
0x91: {  	_ =	sfence.sel $0x180000  }
0x92: {  	[bflag:$0x0] =	sbarrier.arrive $0xFFFF  }
0x93: {  	_ =	strace $0x90000050  }
0x94: {  	[bflag:$0x2] =	sbarrier.arrive $0xFFFF  }
0x95: {  	p0 =	sne.s32 s1, $0x0;
	s0 =	rddreg [dreg:$0x3]  }
0x96: {  	s0 =	sadd.s32 @!p0 $0x100000, s0  }
0x97: {  	[sflag:s0] =	ssyncadd.tile.s32 @!p0 $0x1;
	_ =	shalt  }
.Lfunc_end2:
_tile_overlayer_lowered:
.L_overlay_start_2:
0x98: {  	(tag) =	ssettag $0x2  }
0x99: {  	s0 =	rddreg [dreg:$0x0];
	s2 =	stileid.u32  }
0x9a: {  	s1 =	rddreg [dreg:$0x1];
	p0 =	sne.s32 s2, $0x0  }
0x9b: {  	s3 =	rddreg [dreg:$0x2];
	[bflag:$0x3] =	sbarrier.arrive $0xFFFF;
	s2 =	simm.s32 @!p0 $0x1C04  }
0x9c: {  	[timem:s3], [sflag:s2] =	dma.local @!p0 [hbm:s0], s1  }
0x9d: {  	s0 =	simm.s32 @!p0 $0x4  }
0x9e: {  	_ =	swait.ge @!p0 [sflag:s0], s1  }
0x9f: {  	s1 =	ssub.s32 @!p0 $0x0, s1;
	[sflag:s0] =	ssyncset.done @!p0 $0x0  }
0xa0: {  	[sflag:s0] =	ssyncadd.s32 @!p0 s1  }
0xa1: {  	[bflag:$0x3] =	sbarrier.arrive $0xFFFF  }
0xa2: {  	_ =	shalt  }

// kernel: kernel.8.cloned.1.call-start
scs
__scs_entry_jumppad:
0x0: {  	(pc) =	sbr.rel $0x88, $3  }
0x1: {  	(tag) =	ssettag $0x0;
	lr =	simm.s32 $0x1  }
0x2: {  	[smem:$0x3F9B] =	sst lr;
	_ =	strace $0xD0000000  }
0x3: {  	_ = 	snop  }
0x4: {  	_ = 	snop  }
0x5: {  	_ = 	snop  }
0x6: {  	_ = 	snop  }
0x7: {  	_ = 	snop  }
__scs_overlays_trampoline_lowered:
0x8: {  	[smem:$0x3FAA] =	sst s0  }
0x9: {  	[smem:$0x3FAB] =	sst s1  }
0xa: {  	[smem:$0x3FAC] =	sst s2  }
0xb: {  	[smem:$0x3FAD] =	sst s3  }
0xc: {  	[smem:$0x3FAE] =	sst s4  }
0xd: {  	[smem:$0x3FAF] =	sst s5  }
0xe: {  	[smem:$0x3FB0] =	sst s6  }
0xf: {  	[smem:$0x3FB1] =	sst s7  }
0x10: {  	[smem:$0x3FB2] =	sst s8  }
0x11: {  	[smem:$0x3FB3] =	sst s9;
	s0 =	simm.s32 @!p0 $0x0  }
0x12: {  	s1 =	sld [smem:$0x3F99];
	s0 =	simm.s32 @p0 $0x1  }
0x13: {  	[smem:$0x3FB4] =	sst s0;
	s0 =	simm.s32 @!p1 $0x0  }
0x14: {  	s2 =	sld [smem:$0x3F98];
	s0 =	simm.s32 @p1 $0x1  }
0x15: {  	[smem:$0x3FB5] =	sst s0;
	s0 =	simm.s32 @!p2 $0x0  }
0x16: {  	s3 =	sld [smem:$0x3FDB];
	s0 =	simm.s32 @p2 $0x1  }
0x17: {  	s4 =	simm.s32 $0x1BF5;
	[smem:$0x3FB7] =	sst s0  }
0x18: {  	s0 =	sld [smem:$0x3F9A];
	_ =	swait.ge [sflag:s4], $0x0  }
0x19: {  	s7 =	sld [smem:$0x3F9B]  }
0x1a: {  	s8 =	sadd.s32 $0xFFFFE003, lr  }
0x1b: {  	s9 =	sadd.s32 $0xFFFFFEF7, lr;
	s5 =	simm.s32 $0xFFFFFFFF;
	p2 =	slt.u32 s8, $0xFFFFF086  }
0x1c: {  	p1 =	slt.u32 s9, $0xF7A;
	s5 =	simm.s32 @!p2 $0x0  }
0x1d: {  	s5 =	simm.s32 @p1 $0x1;
	p0 =	seq.s32 s7, s2  }
0x1e: {  	s7 =	smul.u32 @!p0 $0xF7A, s2;
	p2 =	seq.s32 @!p0 s5, $0x0  }
0x1f: {  	s9 =	smul.u32 $0xF7A, s1;
	s8 =	simm.s32 @!p0 $0x1BF5;
	p2 =	por !p2, p0  }
0x20: {  	[sflag:s8] =	ssyncset.s32 @!p0 $0xFFFFF086;
	s6 =	sadd.s32 @!p0 s3, s7;
	s7 =	simm.s32 @!p0 $0x108  }
0x21: {  	s3 =	sadd.s32 s3, s9;
	s6 =	sadd.s32 @!p0 $0x88, s6;
	s7 =	simm.s32 @p2 $0x1082  }
0x22: {  	[simem:s7], [sflag:s8] =	dma.local @!p0 [hbm:s6], $0xF7A  }
0x23: {  	s9 =	sor.u32 $0xD0000000, s2;
	s6 =	simm.s32 $0x108;
	_ =	swait.ge @!p0 [sflag:s8], $0x0  }
0x24: {  	s3 =	sadd.s32 $0x88, s3;
	s6 =	simm.s32 @!p1 $0x1082;
	[sflag:s4] =	ssyncset.s32 $0xFFFFF086  }
0x25: {  	[simem:s6], [sflag:s4] =	dma.local [hbm:s3], $0xF7A  }
0x26: {  	[smem:$0x3F9B] =	sst s1;
	(tag) =	ssettag s2;
	_ =	strace s9  }
0x27: {  	s1 =	sld [smem:$0x3FAB]  }
0x28: {  	s2 =	sld [smem:$0x3FAC]  }
0x29: {  	s4 =	sld [smem:$0x3FAE]  }
0x2a: {  	p0 =	seq.s32 s5, $0x0;
	s5 =	sld [smem:$0x3FAF]  }
0x2b: {  	s6 =	sld [smem:$0x3FB0]  }
0x2c: {  	s7 =	sld [smem:$0x3FB1]  }
0x2d: {  	s3 =	simm.s32 $0x108;
	s8 =	sld [smem:$0x3FB2]  }
0x2e: {  	s3 =	simm.s32 @!p0 $0x1082;
	s9 =	sld [smem:$0x3FB3]  }
0x2f: {  	lr =	sadd.s32 s0, s3;
	s0 =	sld [smem:$0x3FAA]  }
0x30: {  	s3 =	sld [smem:$0x3FAD]  }
0x31: {  	[smem:$0x3FB6] =	sst s10  }
0x32: {  	s10 =	sld [smem:$0x3FB4];
	_ =	sdelay $0x3  }
0x33: {  	p0 =	seq.s32 s10, $0x1;
	s10 =	sld [smem:$0x3FB6];
	_ =	sdelay $0x3  }
0x34: {  	[smem:$0x3FB6] =	sst s10  }
0x35: {  	s10 =	sld [smem:$0x3FB5];
	_ =	sdelay $0x3  }
0x36: {  	p1 =	seq.s32 s10, $0x1;
	s10 =	sld [smem:$0x3FB6];
	_ =	sdelay $0x3  }
0x37: {  	[smem:$0x3FB6] =	sst s10  }
0x38: {  	s10 =	sld [smem:$0x3FB7]  }
0x39: {  	_ = 	snop;
	(pc) =	sbr.ind lr, $3  }
0x3a: {  	_ = 	snop  }
0x3b: {  	_ = 	snop  }
0x3c: {  	p2 =	seq.s32 s10, $0x1;
	s10 =	sld [smem:$0x3FB6]  }
0x3d: {  	_ =	shalt  }
0x3e: {  	_ =	shalt  }
0x3f: {  	_ =	shalt  }
0x40: {  	_ =	shalt  }
0x41: {  	_ =	shalt  }
0x42: {  	_ =	shalt  }
0x43: {  	_ =	shalt  }
0x44: {  	_ =	shalt  }
0x45: {  	_ =	shalt  }
0x46: {  	_ =	shalt  }
0x47: {  	_ =	shalt  }
0x48: {  	_ =	shalt  }
0x49: {  	_ =	shalt  }
0x4a: {  	_ =	shalt  }
0x4b: {  	_ =	shalt  }
0x4c: {  	_ =	shalt  }
0x4d: {  	_ =	shalt  }
0x4e: {  	_ =	shalt  }
0x4f: {  	_ =	shalt  }
0x50: {  	_ =	shalt  }
0x51: {  	_ =	shalt  }
0x52: {  	_ =	shalt  }
0x53: {  	_ =	shalt  }
0x54: {  	_ =	shalt  }
0x55: {  	_ =	shalt  }
0x56: {  	_ =	shalt  }
0x57: {  	_ =	shalt  }
0x58: {  	_ =	shalt  }
0x59: {  	_ =	shalt  }
0x5a: {  	_ =	shalt  }
0x5b: {  	_ =	shalt  }
0x5c: {  	_ =	shalt  }
0x5d: {  	_ =	shalt  }
0x5e: {  	_ =	shalt  }
0x5f: {  	_ =	shalt  }
0x60: {  	_ =	shalt  }
0x61: {  	_ =	shalt  }
0x62: {  	_ =	shalt  }
0x63: {  	_ =	shalt  }
0x64: {  	_ =	shalt  }
0x65: {  	_ =	shalt  }
0x66: {  	_ =	shalt  }
0x67: {  	_ =	shalt  }
0x68: {  	_ =	shalt  }
0x69: {  	_ =	shalt  }
0x6a: {  	_ =	shalt  }
0x6b: {  	_ =	shalt  }
0x6c: {  	_ =	shalt  }
0x6d: {  	_ =	shalt  }
0x6e: {  	_ =	shalt  }
0x6f: {  	_ =	shalt  }
0x70: {  	_ =	shalt  }
0x71: {  	_ =	shalt  }
0x72: {  	_ =	shalt  }
0x73: {  	_ =	shalt  }
0x74: {  	_ =	shalt  }
0x75: {  	_ =	shalt  }
0x76: {  	_ =	shalt  }
0x77: {  	_ =	shalt  }
0x78: {  	_ =	shalt  }
0x79: {  	_ =	shalt  }
0x7a: {  	_ =	shalt  }
0x7b: {  	_ =	shalt  }
0x7c: {  	_ =	shalt  }
0x7d: {  	_ =	shalt  }
0x7e: {  	_ =	shalt  }
0x7f: {  	_ =	shalt  }
0x80: {  	_ =	shalt  }
0x81: {  	_ =	shalt  }
0x82: {  	_ =	shalt  }
0x83: {  	_ =	shalt  }
0x84: {  	_ =	shalt  }
0x85: {  	_ =	shalt  }
0x86: {  	_ =	shalt  }
0x87: {  	_ =	shalt  }
.Lfunc_end0:
.L_simem_size_0:
called_computation.1_lowered:
.L_overlay_start_0:
0x88: {  	s2 =	sld [smem:$0x3FD9]  }
0x89: {  	s3 =	sld [smem:$0x3FFE];
	_ =	sdelay $0x1  }
0x8a: {  	s1 =	srdreg.scid  }
0x8b: {  	s0 =	sand.u32 $0x1, s1  }
0x8c: {  	s16 =	sshll.u32 s0, $0xA;
	s2 =	sadd.s32 s3, s2  }
0x8d: {  	s2 =	sadd.s32 s2, s16  }
0x8e: {  	[smem:$0x3FC2] =	sst s2  }
0x8f: {  	_ = 	snop  }
0x90: {  	(tm) =	ssettm $0x1  }
0x91: {  	s17 =	sld [smem:$0x3FFB];
	_ =	sdelay $0x3  }
0x92: {  	_ =	strace s17  }
0x93: {  	s2 =	sld [smem:$0x3FFC];
	_ =	sdelay $0x3  }
0x94: {  	_ =	strace s2  }
0x95: {  	s2 =	sld [smem:$0x3FFD];
	_ =	sdelay $0x3  }
0x96: {  	_ =	strace s2  }
0x97: {  	_ =	strace $0x8FFFFFFF  }
0x98: {  	s18 =	sld [smem:$0x3FDB];
	_ =	sdelay $0x1  }
0x99: {  	s19 =	simm.s32 $_scs_section_size  }
0x9a: {  	s4 =	simm.s32 $_size__tile_overlayer_lowered;
	s5 =	simm.s32 $_tile_overlayer_lowered  }
0x9b: {  	s22 =	simm.s32 $0x1BFF;
	s21 =	sshll.u32 s5, $0x1;
	s2 =	sadd.s32 s19, s18  }
0x9c: {  	s6 =	simm.s32 $0x0;
	s20 =	sshll.u32 s4, $0x1;
	s4 =	sadd.s32 s21, s2  }
0x9d: {  	[timem:s6], [sflag:s22] =	dma.local [hbm:s4], s20  }
0x9e: {  	_ =	swait.ge [sflag:s22], s20  }
0x9f: {  	s3 =	ssub.s32 $0x0, s20;
	[sflag:s22] =	ssyncset.done $0x0  }
0xa0: {  	[sflag:s22] =	ssyncadd.s32 s3;
	_ =	sdelay $0x1  }
0xa1: {  	s23 =	simm.s32 $0x1B8B  }
0xa2: {  	_ =	swait.ge [sflag:s23], $0x1  }
0xa3: {  	[sflag:s23] =	ssyncset.done $0x0  }
0xa4: {  	s25 =	simm.s32 $0x1B8E;
	s24 =	sld [smem:$0x3FFE];
	[sflag:s23] =	ssyncadd.s32 $0xFFFFFFFF  }
0xa5: {  	s26 =	simm.s32 $execute0_lowered;
	[smem:$0x3FD2] =	sst s25  }
0xa6: {  	s4 =	sshll.u32 s26, $0x1;
	_ =	strace $0x80000049;
	[dreg:$0x1] =	wrdreg $0xFFFFFFFF  }
0xa7: {  	s28 =	simm.s32 $_size_execute0_lowered;
	s2 =	sadd.s32 s2, s4;
	[dreg:$0x0] =	wrdreg $0x0  }
0xa8: {  	s4 =	sshll.u32 s28, $0x1;
	[dreg:$0x2] =	wrdreg s2  }
0xa9: {  	[dreg:$0x3] =	wrdreg s4  }
0xaa: {  	[dreg:$0x4] =	wrdreg $0xC0  }
0xab: {  	_ =	task [dreg:s6], $0x5FFFF  }
0xac: {  	[dreg:$0x1] =	wrdreg $0xFFFFFFFF  }
0xad: {  	[dreg:$0x0] =	wrdreg $0x60  }
0xae: {  	[dreg:$0x2] =	wrdreg s24  }
0xaf: {  	[dreg:$0x3] =	wrdreg $0x0  }
0xb0: {  	[dreg:$0x4] =	wrdreg $0x9  }
0xb1: {  	_ =	task.clear_ibuf [dreg:s6], $0x5FFFF;
	_ =	strace $0x90000049  }
0xb2: {  	s29 =	simm.s32 $0x9;
	_ =	strace $0x8000004B  }
0xb3: {  	_ =	swait.ge [sflag:s29], $0x1  }
0xb4: {  	[sflag:s29] =	ssyncadd.s32 $0xFFFFFFFF  }
0xb5: {  	_ =	strace $0x9000004B  }
0xb6: {  	_ =	sfence  }
0xb7: {  	s30 =	sld [smem:$0x0];
	_ =	sdelay $0x2  }
0xb8: {  	s31 =	sshll.u32 s1, $0xD;
	s1 =	sshrl.u32 s1, $0x2  }
0xb9: {  	s3 =	sand.u32 $0x4000, s31;
	s1 =	sadd.s32 s1, s30  }
0xba: {  	s0 =	sor.u32 s3, s0;
	s1 =	sshll.u32 s1, $0x11  }
0xbb: {  	s0 =	sor.u32 s1, s0  }
0xbc: {  	s0 =	sadd.s32 $0x8F2B, s0  }
0xbd: {  	[sflag:s0] =	ssyncadd.remote.s32 $0x1  }
0xbe: {  	_ =	sfence.sel $0xFFFF  }
0xbf: {  	[dreg:$0x0] =	wrdreg $0xFFFFFFFF;
	(pc) =	sbr.abs _section_cstart, $3  }
0xc0: {  	[dreg:$0x1] =	wrdreg $0xFFFFFFFF  }
0xc1: {  	_ =	task.clear_ibuf [dreg:s6], $0x2FFFF;
	_ =	strace $0x9FFFFFFF  }
0xc2: {  	(tm) =	ssettm $0x7FFFFFFF  }
0xc3: {  	_ =	shalt  }
tec
execute0_lowered:
.L_overlay_start_1:
0x0: {  	(tag) =	ssettag $0x1  }
0x1: {  	s4 =	rddreg [dreg:$0x0];
	s1 =	srdreg.scid  }
0x2: {  	s0 =	stileid.u32;
	s2 =	rddreg [dreg:$0x1];
	s3 =	simm.s32 $0x0  }
0x3: {  	s11 =	simm.s32 $0x30E0;
	s12 =	simm.s32 $0xFA0;
	s13 =	simm.s32 $0x4080  }
0x4: {  	s14 =	simm.s32 $0x1;
	s15 =	simm.s32 $0x2;
	s6 =	smul.u32 $0x1870, s0  }
0x5: {  	s5 =	sand.u32 $0x1, s1;
	s1 =	rddreg [dreg:$0x2];
	s9 =	smul.u32 $0x30D40, s0  }
0x6: {  	s16 =	simm.s32 $0x0;
	[smem:$0x7FF] =	sst s3;
	s7 =	smul.u32 $0x18700, s5  }
0x7: {  	s10 =	sadd.s32 $0x1200, s4;
	s8 =	smul.u32 $0x30D400, s5;
	s5 =	ssub.s32 $0x2, s5  }
0x8: {  	_ =	strace $0x8000004A;
	s28 =	sshrl.u32 s5, $0x1;
	s7 =	sadd.s32 s6, s7  }
0x9: {  	s8 =	sadd.s32 s9, s8;
	s29 =	ssub.s32 s5, s28;
	s9 =	simm.s32 $0x1870  }
0xa: {  	s7 =	sshrl.u32 s7, $0x3;
	s30 =	sadd.s32 $0x61B7A0, s8;
	s8 =	sadd.s32 $0x61A800, s8  }
0xb: {  	s7 =	sadd.s32 s7, s4;
	s4 =	sadd.s32 s6, s2;
	s31 =	sshrl.u32 s30, $0x3  }
0xc: {  	s6 =	smax.u32 s29, $0x1;
	s8 =	sshrl.u32 s8, $0x3;
	s5 =	sadd.s32 $0x187C00, s7  }
0xd: {  	v0 =	vimm.f32 $1.000000000e+00;
	s7 =	sadd.s32 s31, s10;
	s8 =	sadd.s32 s8, s10;
	s10 =	simm.s32 $0x3  }
.LBB2_1:
0xe: {  	s17 =	simm.s32 $0x40;
	s18 =	simm.s32 $0x0  }
.LBB2_2:
0xf: {  	p0 =	sne.s32 s17, $0x6180;
	[tilespmem:s18+$0x1870] =	vst v0;
	s18 =	smov.u32 s17;
	s17 =	sadd.s32 $0x40, s17  }
.Ltmp0:
0x10: {  	(pc) =	sbr.rel @p0 .LBB2_2-.Ltmp0, $2  }
0x11: {  	_ =	sdelay $0x2  }
0x12: {  	s18 =	sshra.s32 s18, $0x2  }
0x13: {  	[tilespmem:s18+$0x1870] =	vst v0  }
0x14: {  	[spmem:s4] =	stream.linear.scatter [tilespmem:s9], [sflag:$0x3], $0x1870, $0x38;
	[tilespmem:$0x5020] =	vst v63  }
0x15: {  	_ =	swait.ge [sflag:s10], $0x1870  }
0x16: {  	[sflag:s10] =	ssyncset.done $0x0  }
0x17: {  	[sflag:s10] =	ssyncadd.s32 $0xFFFFE790  }
0x18: {  	s17 =	sadd.s32 $0x0, s8;
	[bflag:$0x0] =	sbarrier.arrive $0xFFFF  }
0x19: {  	[tilespmem:s11], [sflag:$0x3] =	stream.linear.gather [hbm4b:s17+s3], $0xFA0, $0x38;
	[tilespmem:$0x5020] =	vst v63  }
0x1a: {  	_ =	swait.ge [sflag:s10], $0xFA0  }
0x1b: {  	[sflag:s10] =	ssyncset.done $0x0  }
0x1c: {  	[sflag:s10] =	ssyncadd.s32 $0xFFFFF060  }
0x1d: {  	[spmem:s2] =	stream.indirect.scatter.add.f32 [tilespmem:s9], [sflag:$0x1], $0x1, s11, s12, $0xb8;
	[tilespmem:$0x5020] =	vst v63  }
0x1e: {  	s31 =	sadd.s32 $0x0, s7  }
0x1f: {  	[tilespmem:s13], [sflag:$0x3] =	stream.linear.gather [hbm4b:s31+s3], $0xFA0, $0x38;
	[tilespmem:$0x5020] =	vst v63  }
0x20: {  	_ =	swait.ge [sflag:s10], $0xFA0  }
0x21: {  	[sflag:s10] =	ssyncset.done $0x0  }
0x22: {  	[sflag:s10] =	ssyncadd.s32 $0xFFFFF060  }
0x23: {  	[spmem:s2] =	stream.indirect.scatter.add.f32 [tilespmem:s9], [sflag:$0x2], $0x1, s13, s12, $0xb8;
	[tilespmem:$0x5020] =	vst v63  }
0x24: {  	_ =	swait.ge [sflag:s14], $0xFA0  }
0x25: {  	[sflag:s14] =	ssyncset.done $0x0  }
0x26: {  	[sflag:s14] =	ssyncadd.s32 $0xFFFFF060  }
0x27: {  	_ =	swait.ge [sflag:s15], $0xFA0  }
0x28: {  	s18 =	simm.s32 $0x7D0;
	s17 =	simm.s32 $0x3E8;
	[sflag:s15] =	ssyncset.done $0x0  }
.LBB2_4:
0x29: {  	s19 =	sadd.s32 s17, s8  }
0x2a: {  	[sflag:s15] =	ssyncadd.s32 $0xFFFFF060;
	s20 =	smov.u32 s18;
	s21 =	sadd.s32 $0x3E8, s18  }
0x2b: {  	[tilespmem:s11], [sflag:$0x3] =	stream.linear.gather [hbm4b:s19+s3], $0xFA0, $0x38;
	[tilespmem:$0x5020] =	vst v63  }
0x2c: {  	p0 =	sne.s32 s18, $0x5DC0;
	_ =	swait.ge [sflag:s10], $0xFA0  }
0x2d: {  	[sflag:s10] =	ssyncset.done $0x0  }
0x2e: {  	[sflag:s10] =	ssyncadd.s32 $0xFFFFF060  }
0x2f: {  	[spmem:s2] =	stream.indirect.scatter.add.f32 [tilespmem:s9], [sflag:$0x1], $0x1, s11, s12, $0xb8;
	[tilespmem:$0x5020] =	vst v63  }
0x30: {  	s18 =	sadd.s32 s17, s7;
	s17 =	smov.u32 s20  }
0x31: {  	[tilespmem:s13], [sflag:$0x3] =	stream.linear.gather [hbm4b:s18+s3], $0xFA0, $0x38;
	[tilespmem:$0x5020] =	vst v63  }
0x32: {  	_ =	swait.ge [sflag:s10], $0xFA0  }
0x33: {  	[sflag:s10] =	ssyncset.done $0x0  }
0x34: {  	[sflag:s10] =	ssyncadd.s32 $0xFFFFF060  }
0x35: {  	[spmem:s2] =	stream.indirect.scatter.add.f32 [tilespmem:s9], [sflag:$0x2], $0x1, s13, s12, $0xb8;
	[tilespmem:$0x5020] =	vst v63  }
.Ltmp1:
0x36: {  	_ =	swait.ge [sflag:s14], $0xFA0;
	(pc) =	sbr.rel @p0 .LBB2_4-.Ltmp1, $4  }
0x37: {  	[sflag:s14] =	ssyncset.done $0x0  }
0x38: {  	[sflag:s14] =	ssyncadd.s32 $0xFFFFF060  }
0x39: {  	_ =	swait.ge [sflag:s15], $0xFA0  }
0x3a: {  	s18 =	smov.u32 s21;
	[sflag:s15] =	ssyncset.done $0x0  }
0x3b: {  	s18 =	sadd.s32 s17, s8;
	[sflag:s15] =	ssyncadd.s32 $0xFFFFF060  }
0x3c: {  	[tilespmem:s11], [sflag:$0x3] =	stream.linear.gather [hbm4b:s18+s3], $0xFA0, $0x38;
	[tilespmem:$0x5020] =	vst v63  }
0x3d: {  	_ =	swait.ge [sflag:s10], $0xFA0  }
0x3e: {  	[sflag:s10] =	ssyncset.done $0x0  }
0x3f: {  	[sflag:s10] =	ssyncadd.s32 $0xFFFFF060  }
0x40: {  	[spmem:s2] =	stream.indirect.scatter.add.f32 [tilespmem:s9], [sflag:$0x1], $0x1, s11, s12, $0xb8;
	[tilespmem:$0x5020] =	vst v63  }
0x41: {  	s31 =	sadd.s32 s17, s7  }
0x42: {  	[tilespmem:s13], [sflag:$0x3] =	stream.linear.gather [hbm4b:s31+s3], $0xFA0, $0x38;
	[tilespmem:$0x5020] =	vst v63  }
0x43: {  	_ =	swait.ge [sflag:s10], $0xFA0  }
0x44: {  	[sflag:s10] =	ssyncset.done $0x0  }
0x45: {  	[sflag:s10] =	ssyncadd.s32 $0xFFFFF060  }
0x46: {  	[spmem:s2] =	stream.indirect.scatter.add.f32 [tilespmem:s9], [sflag:$0x2], $0x1, s13, s12, $0xb8;
	[tilespmem:$0x5020] =	vst v63  }
0x47: {  	_ =	swait.ge [sflag:s14], $0xFA0  }
0x48: {  	[sflag:s14] =	ssyncset.done $0x0  }
0x49: {  	[sflag:s14] =	ssyncadd.s32 $0xFFFFF060  }
0x4a: {  	_ =	swait.ge [sflag:s15], $0xFA0  }
0x4b: {  	[sflag:s15] =	ssyncset.done $0x0  }
0x4c: {  	[sflag:s15] =	ssyncadd.s32 $0xFFFFF060  }
0x4d: {  	[bflag:$0x0] =	sbarrier.arrive $0xFFFF  }
0x4e: {  	[tilespmem:s9], [sflag:$0x3] =	stream.linear.gather [spmem:s4], $0x1870, $0x38;
	[tilespmem:$0x5020] =	vst v63  }
0x4f: {  	s16 =	sadd.s32 $0x1, s16;
	_ =	swait.ge [sflag:s10], $0x1870  }
0x50: {  	p0 =	sne.s32 s16, s6;
	[sflag:s10] =	ssyncset.done $0x0  }
.Ltmp2:
0x51: {  	[sflag:s10] =	ssyncadd.s32 $0xFFFFE790;
	(pc) =	sbr.rel @p0 .LBB2_1-.Ltmp2, $4  }
0x52: {  	[hbm4b:s5+s3] =	stream.linear.scatter [tilespmem:s9], [sflag:$0x3], $0x1870, $0x38;
	[tilespmem:$0x5020] =	vst v63  }
0x53: {  	_ =	swait.ge [sflag:s10], $0x1870  }
0x54: {  	[sflag:s10] =	ssyncset.done $0x0  }
0x55: {  	[sflag:s10] =	ssyncadd.s32 $0xFFFFE790  }
0x56: {  	_ =	sfence.sel $0x180000  }
0x57: {  	[bflag:$0x0] =	sbarrier.arrive $0xFFFF  }
0x58: {  	p0 =	sne.s32 s0, $0x0;
	_ =	strace $0x9000004A  }
0x59: {  	s0 =	sadd.s32 @!p0 $0x100000, s1;
	[bflag:$0x2] =	sbarrier.arrive $0xFFFF  }
0x5a: {  	[sflag:s0] =	ssyncadd.tile.s32 @!p0 $0x1;
	_ =	shalt  }
.Lfunc_end2:
_tile_overlayer_lowered:
.L_overlay_start_2:
0x5b: {  	(tag) =	ssettag $0x2  }
0x5c: {  	s0 =	rddreg [dreg:$0x0];
	s2 =	stileid.u32  }
0x5d: {  	s1 =	rddreg [dreg:$0x1];
	p0 =	sne.s32 s2, $0x0  }
0x5e: {  	s3 =	rddreg [dreg:$0x2];
	[bflag:$0x3] =	sbarrier.arrive $0xFFFF;
	s2 =	simm.s32 @!p0 $0x1C03  }
0x5f: {  	[timem:s3], [sflag:s2] =	dma.local @!p0 [hbm:s0], s1  }
0x60: {  	s0 =	simm.s32 @!p0 $0x3  }
0x61: {  	_ =	swait.ge @!p0 [sflag:s0], s1  }
0x62: {  	s1 =	ssub.s32 @!p0 $0x0, s1;
	[sflag:s0] =	ssyncset.done @!p0 $0x0  }
0x63: {  	[sflag:s0] =	ssyncadd.s32 @!p0 s1  }
0x64: {  	[bflag:$0x3] =	sbarrier.arrive $0xFFFF  }
0x65: {  	_ =	shalt  }

// kernel: sparse-core-data-format-call.cloned.1.call-start
scs
called_computation_lowered:
.L_overlay_start_0:
0x0: {  	s2 =	sld [smem:$0x3FD9]  }
0x1: {  	s3 =	sld [smem:$0x3FFE];
	_ =	sdelay $0x1  }
0x2: {  	s1 =	srdreg.scid  }
0x3: {  	s0 =	sand.u32 $0x1, s1  }
0x4: {  	s18 =	sshll.u32 s0, $0xA;
	s2 =	sadd.s32 s3, s2  }
0x5: {  	s2 =	sadd.s32 s2, s18  }
0x6: {  	[smem:$0x3FC2] =	sst s2  }
0x7: {  	_ = 	snop  }
0x8: {  	s2 =	sld [smem:$0x3FC8];
	(tm) =	ssettm $0x1  }
0x9: {  	s19 =	sld [smem:$0x3FFB];
	_ =	sdelay $0x3  }
0xa: {  	_ =	strace s19  }
0xb: {  	s3 =	sld [smem:$0x3FFC];
	_ =	sdelay $0x3  }
0xc: {  	_ =	strace s3  }
0xd: {  	s3 =	sld [smem:$0x3FFD];
	_ =	sdelay $0x3  }
0xe: {  	_ =	strace s3  }
0xf: {  	_ =	strace $0x8FFFFFFF  }
0x10: {  	s20 =	sld [smem:$0x3FDB];
	_ =	sdelay $0x1  }
0x11: {  	s4 =	simm.s32 $_scs_section_size  }
0x12: {  	s5 =	simm.s32 $_size__tile_overlayer_lowered;
	s6 =	simm.s32 $_tile_overlayer_lowered  }
0x13: {  	s23 =	simm.s32 $0x1BFF;
	s22 =	sshll.u32 s6, $0x1;
	s3 =	sadd.s32 s4, s20  }
0x14: {  	s7 =	simm.s32 $0x0;
	s21 =	sshll.u32 s5, $0x1;
	s5 =	sadd.s32 s22, s3  }
0x15: {  	[timem:s7], [sflag:s23] =	dma.local [hbm:s5], s21  }
0x16: {  	_ =	swait.ge [sflag:s23], s21  }
0x17: {  	s4 =	ssub.s32 $0x0, s21;
	[sflag:s23] =	ssyncset.done $0x0  }
0x18: {  	[sflag:s23] =	ssyncadd.s32 s4;
	_ =	sdelay $0x1  }
0x19: {  	s24 =	simm.s32 $0x1B8B  }
0x1a: {  	_ =	swait.ge [sflag:s24], $0x1  }
0x1b: {  	[sflag:s24] =	ssyncset.done $0x0  }
0x1c: {  	s26 =	simm.s32 $0x1B8E;
	s25 =	sld [smem:$0x3FFE];
	[sflag:s24] =	ssyncadd.s32 $0xFFFFFFFF  }
0x1d: {  	s27 =	simm.s32 $execute0_lowered;
	[smem:$0x3FD2] =	sst s26  }
0x1e: {  	s5 =	sshll.u32 s27, $0x1;
	_ =	strace $0x80000046;
	[dreg:$0x1] =	wrdreg $0xFFFFFFFF  }
0x1f: {  	s28 =	simm.s32 $_size_execute0_lowered;
	s3 =	sadd.s32 s3, s5;
	[dreg:$0x0] =	wrdreg $0x0  }
0x20: {  	s5 =	sshll.u32 s28, $0x1;
	[dreg:$0x2] =	wrdreg s3  }
0x21: {  	[dreg:$0x3] =	wrdreg s5  }
0x22: {  	[dreg:$0x4] =	wrdreg $0xC0  }
0x23: {  	_ =	task [dreg:s7], $0x5FFFF  }
0x24: {  	[dreg:$0x1] =	wrdreg $0xFFFFFFFF  }
0x25: {  	[dreg:$0x0] =	wrdreg $0x60  }
0x26: {  	[dreg:$0x2] =	wrdreg s2  }
0x27: {  	[dreg:$0x3] =	wrdreg s25  }
0x28: {  	[dreg:$0x4] =	wrdreg $0x9  }
0x29: {  	_ =	task.clear_ibuf [dreg:s7], $0x5FFFF;
	_ =	strace $0x90000046  }
0x2a: {  	s29 =	simm.s32 $0x9;
	_ =	strace $0x80000048  }
0x2b: {  	_ =	swait.ge [sflag:s29], $0x1  }
0x2c: {  	[sflag:s29] =	ssyncadd.s32 $0xFFFFFFFF  }
0x2d: {  	_ =	strace $0x90000048  }
0x2e: {  	_ =	sfence  }
0x2f: {  	s30 =	sld [smem:$0x0];
	_ =	sdelay $0x2  }
0x30: {  	s31 =	sshll.u32 s1, $0xD;
	s1 =	sshrl.u32 s1, $0x2  }
0x31: {  	s3 =	sand.u32 $0x4000, s31;
	s1 =	sadd.s32 s1, s30  }
0x32: {  	s0 =	sor.u32 s3, s0;
	s1 =	sshll.u32 s1, $0x11  }
0x33: {  	s0 =	sor.u32 s1, s0  }
0x34: {  	s0 =	sadd.s32 $0x8F2B, s0  }
0x35: {  	[sflag:s0] =	ssyncadd.remote.s32 $0x1  }
0x36: {  	_ =	sfence.sel $0xFFFF  }
0x37: {  	[dreg:$0x0] =	wrdreg $0xFFFFFFFF;
	(pc) =	sbr.abs _section_cstart, $3  }
0x38: {  	[dreg:$0x1] =	wrdreg $0xFFFFFFFF  }
0x39: {  	_ =	task.clear_ibuf [dreg:s7], $0x2FFFF;
	_ =	strace $0x9FFFFFFF  }
0x3a: {  	(tm) =	ssettm $0x7FFFFFFF  }
0x3b: {  	_ =	shalt  }
tec
execute0_lowered:
.L_overlay_start_1:
0x0: {  	(tag) =	ssettag $0x1  }
0x1: {  	s0 =	stileid.u32;
	s7 =	rddreg [dreg:$0x0]  }
0x2: {  	s1 =	srdreg.scid;
	s4 =	rddreg [dreg:$0x1]  }
0x3: {  	s30 =	simm.s32 $0x2;
	s10 =	simm.s32 $0x0;
	s14 =	simm.s32 $0x0  }
0x4: {  	s15 =	simm.s32 $0x0;
	s11 =	simm.s32 $0x0;
	s13 =	simm.s32 $0x0  }
0x5: {  	s2 =	sand.u32 $0x1, s1;
	s3 =	sshll.u32 s0, $0x7;
	s1 =	rddreg [dreg:$0x2]  }
0x6: {  	_ =	strace $0x80000047;
	s5 =	ssub.s32 $0xC300, s3;
	s6 =	ssub.s32 $0x2, s2  }
.Ltmp0:
0x7: {  	s5 =	sshrl.u32 s5, $0xB;
	s8 =	sshrl.u32 s6, $0x1;
	(pc) =	sbr.rel .LBB1_1-.Ltmp0, $4  }
0x8: {  	s4 =	sadd.s32 $0x1200, s4;
	s9 =	sadd.s32 $0x1, s5;
	s6 =	ssub.s32 s6, s8  }
0x9: {  	s31 =	sshll.u32 s2, $0x4;
	s5 =	simm.s32 $0x1;
	s6 =	smul.u32 s9, s6  }
0xa: {  	s12 =	smov.u32 s3;
	s7 =	sadd.s32 s7, s31;
	[sflag:s5] =	ssyncpa.u1 $0x0  }
0xb: {  	s9 =	simm.s32 $0x0;
	[sflag:s30] =	ssyncpa.u1 $0x0;
	s8 =	sadd.s32 $0x1, s6  }
.LBB1_4:
0xc: {  	s21 =	simm.s32 $0x0  }
.LBB1_8:
0xd: {  	_ =	sdelay $0x3  }
0xe: {  	v6 =	vld [tilespmem:s18+$0xFFFFFFC0];
	[tilespmem:v0+s20+$0x30 ss:$0x1] =	vst.idx.msk @p0 $0xffff, v2  }
0xf: {  	v58 =	vld [tilespmem:s18+$0xFFFFFFD0];
	[tilespmem:v0+s20+$0x40 ss:$0x1] =	vst.idx.msk @p0 $0xffff, v3;
	s21 =	sadd.s32 @p0 $0x80, s21  }
0x10: {  	v59 =	vld [tilespmem:s18+$0xFFFFFFE0];
	[tilespmem:v0+s20+$0x50 ss:$0x1] =	vst.idx.msk @p0 $0xffff, v5;
	s19 =	smov.u32 @p0 s21  }
0x11: {  	v60 =	vld [tilespmem:s18+$0xFFFFFFF0];
	[tilespmem:v0+s20+$0x60 ss:$0x1] =	vst.idx.msk @p0 $0xffff, v4;
	s19 =	sand.u32 $0x3F80, s19  }
0x12: {  	v61 =	vld [tilespmem:s18+$0x0];
	[tilespmem:v0+s19+$0x70 ss:$0x1] =	vst.idx.msk $0xffff, v1  }
0x13: {  	v62 =	vld [tilespmem:s18+$0x10];
	[tilespmem:v0+s19+$0x0 ss:$0x1] =	vst.idx.msk $0xffff, v6  }
0x14: {  	v63 =	vld [tilespmem:s18+$0x20];
	[tilespmem:v0+s19+$0x10 ss:$0x1] =	vst.idx.msk $0xffff, v58  }
0x15: {  	[tilespmem:v0+s19+$0x20 ss:$0x1] =	vst.idx.msk $0xffff, v59  }
0x16: {  	[tilespmem:v0+s19+$0x30 ss:$0x1] =	vst.idx.msk $0xffff, v60  }
0x17: {  	[tilespmem:v0+s19+$0x40 ss:$0x1] =	vst.idx.msk $0xffff, v61  }
0x18: {  	[tilespmem:v0+s19+$0x50 ss:$0x1] =	vst.idx.msk $0xffff, v62  }
0x19: {  	[tilespmem:v0+s19+$0x60 ss:$0x1] =	vst.idx.msk $0xffff, v63  }
.LBB1_9:
0x1a: {  	s18 =	sand.u32 $0x1FFFFFF, s11  }
0x1b: {  	s19 =	smulhi.u32 $0x14F8B59, s18;
	_ =	sdelay $0x1  }
0x1c: {  	s19 =	sshrl.u32 s19, $0x8  }
0x1d: {  	s19 =	smul.u32 $0xC350, s19  }
0x1e: {  	s15 =	smul.u32 $0xC3500, s15  }
0x1f: {  	s18 =	ssub.s32 s18, s19  }
0x20: {  	s15 =	sadd.s32 s4, s15;
	s18 =	sshll.u32 s18, $0x4  }
0x21: {  	s15 =	sadd.s32 s18, s15  }
0x22: {  	[hbm4b:s15+s9] =	stream.linear.scatter [tilespmem:s17], [sflag:$0x2], s16, $0x38;
	[tilespmem:$0x10000] =	vst v63  }
.LBB1_10:
0x23: {  	p0 =	slt.u32 s13, $0x2  }
0x24: {  	p1 =	sgt.s32 @!p0 s14, $0xC2D0  }
0x25: {  	s15 =	smov.u32 s14;
	s16 =	sshra.s32 @!p0 s14, $0x1F;
	p1 =	por !p1, p0  }
0x26: {  	s14 =	sand.u32 @!p0 s16, s14;
	s15 =	simm.s32 @p1 $0xC2D0  }
0x27: {  	s14 =	ssub.s32 @!p0 s15, s14  }
0x28: {  	s14 =	sadd.s32 @!p0 $0xFFFF3D30, s14  }
0x29: {  	s15 =	sshll.u32 @!p0 s14, $0x7  }
0x2a: {  	p1 =	sgt.s32 @!p0 s14, $0x7F;
	s14 =	ssub.s32 @!p0 $0x4000, s15  }
0x2b: {  	s16 =	sadd.s32 $0x800, s12;
	p1 =	por !p1, p0;
	s14 =	sand.u32 @!p0 $0x3FFFFF80, s14  }
0x2c: {  	s14 =	simm.s32 @!p1 $0x0;
	p1 =	sgt.s32 s16, $0xC34F  }
0x2d: {  	s16 =	smov.u32 @p1 s3;
	p1 =	sne.s32 s13, s8  }
.Ltmp1:
0x2e: {  	_ = 	snop;
	(pc) =	sbr.rel @!p1 .LBB1_11-.Ltmp1, $4  }
0x2f: {  	s10 =	sadd.s32 $0x4000, s10;
	s15 =	simm.s32 @!p0 $0x2  }
0x30: {  	_ =	swait.ge @!p0 [sflag:s15], s14;
	s17 =	ssub.s32 @!p0 $0x0, s14;
	s14 =	smov.u32 s11  }
0x31: {  	s13 =	sadd.s32 $0x1, s13;
	s11 =	smov.u32 s12;
	[sflag:s15] =	ssyncset.done @!p0 $0x0  }
0x32: {  	s12 =	smov.u32 s16;
	[sflag:s15] =	ssyncadd.s32 @!p0 s17;
	s15 =	smov.u32 s2  }
.LBB1_1:
0x33: {  	p0 =	sge.u32 s13, s6  }
0x34: {  	p1 =	sgt.s32 @!p0 s12, $0xC2D0  }
0x35: {  	s16 =	smov.u32 s12;
	s17 =	sshra.s32 @!p0 s12, $0x1F;
	p1 =	por !p1, p0  }
0x36: {  	s17 =	sand.u32 @!p0 s17, s12;
	s16 =	simm.s32 @p1 $0xC2D0  }
0x37: {  	s16 =	ssub.s32 @!p0 s16, s17  }
0x38: {  	s31 =	sadd.s32 $0xFFFFFFFF, s13;
	s18 =	sxor.u32 @!p0 $0xFFFFFFFF, s13;
	s16 =	sadd.s32 @!p0 $0xFFFF3D30, s16  }
0x39: {  	s19 =	simm.s32 @!p0 $0x80;
	s20 =	simm.s32 @!p0 $0x100;
	s17 =	sshll.u32 @!p0 s16, $0x7  }
0x3a: {  	p1 =	sgt.s32 @!p0 s16, $0x7F;
	s16 =	ssub.s32 @!p0 $0x4000, s17;
	s17 =	sshll.u32 @!p0 s18, $0xE  }
0x3b: {  	p1 =	por !p1, p0;
	s18 =	sshll.u32 @!p0 s12, $0x5;
	s16 =	sand.u32 @!p0 $0x3FFFFF80, s16  }
0x3c: {  	s17 =	sand.u32 @!p0 $0x4000, s17;
	s18 =	sadd.s32 @!p0 s18, s7;
	s16 =	simm.s32 @!p1 $0x0  }
0x3d: {  	[tilespmem:s17], [sflag:$0x1] =	stream.strided.gather @!p0 [hbm4b:s18+s19], s16, s20, s19, $0x38;
	[tilespmem:$0x10000] =	vst v63  }
0x3e: {  	p0 =	sge.u32 s31, s6  }
.Ltmp2:
0x3f: {  	_ = 	snop;
	(pc) =	sbr.rel @p0 .LBB1_10-.Ltmp2, $1  }
0x40: {  	_ =	sdelay $0x3  }
0x41: {  	p0 =	sgt.s32 s11, $0xC2D0;
	s16 =	smov.u32 s11;
	s17 =	sshra.s32 s11, $0x1F  }
0x42: {  	s16 =	simm.s32 @!p0 $0xC2D0;
	s17 =	sand.u32 s17, s11  }
0x43: {  	s16 =	ssub.s32 s16, s17  }
0x44: {  	s16 =	sadd.s32 $0xFFFF3D30, s16  }
0x45: {  	s30 =	sshll.u32 s16, $0x7  }
0x46: {  	s17 =	ssub.s32 $0x4000, s30  }
0x47: {  	p0 =	sgt.s32 s16, $0x7F;
	s16 =	sand.u32 $0x3FFFFF80, s17;
	s17 =	sadd.s32 $0x80, s11  }
0x48: {  	s16 =	simm.s32 @p0 $0x0;
	p0 =	slt.s32 s17, $0xC350  }
0x49: {  	s17 =	simm.s32 @!p0 $0xC350  }
0x4a: {  	s20 =	ssub.s32 s17, s11  }
0x4b: {  	p0 =	slt.s32 s20, $0x1  }
.Ltmp3:
0x4c: {  	_ = 	snop;
	(pc) =	sbr.rel @p0 .LBB1_9-.Ltmp3, $4  }
0x4d: {  	_ = 	snop  }
0x4e: {  	s19 =	sshll.u32 s13, $0xE;
	_ =	swait.ge [sflag:s5], s16  }
0x4f: {  	s31 =	sand.u32 $0x4000, s19;
	s18 =	ssub.s32 $0x0, s16;
	[sflag:s5] =	ssyncset.done $0x0  }
0x50: {  	s17 =	sor.u32 $0x8000, s31;
	[sflag:s5] =	ssyncadd.s32 s18  }
0x51: {  	p1 =	sne.s32 s20, $0x1  }
.Ltmp4:
0x52: {  	v0 =	vmov s17;
	(pc) =	sbr.rel @!p1 .LBB1_4-.Ltmp4, $4  }
0x53: {  	_ = 	snop  }
0x54: {  	s18 =	sand.u32 $0x4000, s10  }
0x55: {  	s18 =	sor.u32 $0x40, s18  }
0x56: {  	s19 =	simm.s32 $0x0;
	s21 =	sadd.s32 $0xFFFFFFFF, s20;
	p0 =	por $0x0, $0x0;
	v1 =	vld [tilespmem:s18+$0x30]  }
0x57: {  	v4 =	vld [tilespmem:s18+$0xFFFFFFC0]  }
0x58: {  	v6 =	vld [tilespmem:s18+$0xFFFFFFD0]  }
0x59: {  	v7 =	vld [tilespmem:s18+$0xFFFFFFE0];
	p1 =	sne.s32 s21, $0x1  }
.Ltmp5:
0x5a: {  	v2 =	vld [tilespmem:s18+$0xFFFFFFF0];
	s20 =	sand.u32 $0x3F80, s19;
	(pc) =	sbr.rel @!p1 .LBB1_6-.Ltmp5, $4  }
0x5b: {  	v3 =	vld [tilespmem:s18+$0x0];
	[tilespmem:v0+s20+$0x70 ss:$0x1] =	vst.idx.msk $0xffff, v1  }
0x5c: {  	v5 =	vld [tilespmem:s18+$0x10];
	[tilespmem:v0+s20+$0x0 ss:$0x1] =	vst.idx.msk $0xffff, v4  }
0x5d: {  	v4 =	vld [tilespmem:s18+$0x20];
	[tilespmem:v0+s20+$0x10 ss:$0x1] =	vst.idx.msk $0xffff, v6;
	s18 =	sadd.s32 $0x80, s18  }
0x5e: {  	s22 =	sadd.s32 $0xFFFFFFFF, s21;
	p0 =	por $0x1, $0x1;
	s21 =	simm.s32 $0x0;
	[tilespmem:v0+s20+$0x20 ss:$0x1] =	vst.idx.msk $0xffff, v7;
	v1 =	vld [tilespmem:s18+$0x30]  }
.LBB1_7:
0x5f: {  	p1 =	sne.s32 s22, $0x1;
	v6 =	vld [tilespmem:s18+$0xFFFFFFC0];
	[tilespmem:v0+s20+$0x30 ss:$0x1] =	vst.idx.msk $0xffff, v2  }
0x60: {  	v7 =	vld [tilespmem:s18+$0xFFFFFFD0];
	[tilespmem:v0+s20+$0x40 ss:$0x1] =	vst.idx.msk $0xffff, v3  }
0x61: {  	s21 =	sadd.s32 $0x80, s21;
	v8 =	vld [tilespmem:s18+$0xFFFFFFE0];
	[tilespmem:v0+s20+$0x50 ss:$0x1] =	vst.idx.msk $0xffff, v5  }
.Ltmp6:
0x62: {  	v2 =	vld [tilespmem:s18+$0xFFFFFFF0];
	[tilespmem:v0+s20+$0x60 ss:$0x1] =	vst.idx.msk $0xffff, v4;
	s20 =	sand.u32 $0x3F80, s21;
	(pc) =	sbr.rel @p1 .LBB1_7-.Ltmp6, $4  }
0x63: {  	v3 =	vld [tilespmem:s18+$0x0];
	[tilespmem:v0+s20+$0x70 ss:$0x1] =	vst.idx.msk $0xffff, v1  }
0x64: {  	[tilespmem:v0+s20+$0x0 ss:$0x1] =	vst.idx.msk $0xffff, v6;
	v5 =	vld [tilespmem:s18+$0x10]  }
0x65: {  	[tilespmem:v0+s20+$0x10 ss:$0x1] =	vst.idx.msk $0xffff, v7;
	v4 =	vld [tilespmem:s18+$0x20];
	s18 =	sadd.s32 $0x80, s18  }
0x66: {  	s22 =	sadd.s32 $0xFFFFFFFF, s22;
	v1 =	vld [tilespmem:s18+$0x30];
	[tilespmem:v0+s20+$0x20 ss:$0x1] =	vst.idx.msk $0xffff, v8  }
.Ltmp7:
0x67: {  	_ = 	snop;
	(pc) =	sbr.rel .LBB1_8-.Ltmp7, $1  }
0x68: {  	_ =	sdelay $0x3  }
.LBB1_6:
.Ltmp8:
0x69: {  	(pc) =	sbr.rel .LBB1_8-.Ltmp8, $2  }
0x6a: {  	_ =	sdelay $0x2  }
0x6b: {  	s21 =	simm.s32 $0x0  }
.LBB1_11:
0x6c: {  	_ =	sfence.sel $0x180000  }
0x6d: {  	s2 =	simm.s32 $0x1;
	[bflag:$0x0] =	sbarrier.arrive $0xFFFF  }
0x6e: {  	s31 =	simm.s32 $0x2;
	[sflag:s2] =	ssyncpa.u1 $0x1  }
0x6f: {  	[sflag:s31] =	ssyncpa.u1 $0x1  }
0x70: {  	p0 =	sne.s32 s0, $0x0;
	_ =	strace $0x90000047  }
0x71: {  	s0 =	sadd.s32 @!p0 $0x100000, s1;
	[bflag:$0x2] =	sbarrier.arrive $0xFFFF  }
0x72: {  	[sflag:s0] =	ssyncadd.tile.s32 @!p0 $0x1;
	_ =	shalt  }
.Lfunc_end1:
_tile_overlayer_lowered:
.L_overlay_start_2:
0x73: {  	(tag) =	ssettag $0x2  }
0x74: {  	s0 =	rddreg [dreg:$0x0];
	s2 =	stileid.u32  }
0x75: {  	s1 =	rddreg [dreg:$0x1];
	p0 =	sne.s32 s2, $0x0  }
0x76: {  	s3 =	rddreg [dreg:$0x2];
	[bflag:$0x3] =	sbarrier.arrive $0xFFFF;
	s2 =	simm.s32 @!p0 $0x1C01  }
0x77: {  	[timem:s3], [sflag:s2] =	dma.local @!p0 [hbm:s0], s1  }
0x78: {  	s0 =	simm.s32 @!p0 $0x1  }
0x79: {  	_ =	swait.ge @!p0 [sflag:s0], s1  }
0x7a: {  	s1 =	ssub.s32 @!p0 $0x0, s1;
	[sflag:s0] =	ssyncset.done @!p0 $0x0  }
0x7b: {  	[sflag:s0] =	ssyncadd.s32 @!p0 s1  }
0x7c: {  	[bflag:$0x3] =	sbarrier.arrive $0xFFFF  }
0x7d: {  	_ =	shalt  }

</sc_bundles>
